<compile_context>
chip_gen: v7x
topology: tpu7x:2x2x1
jax: 0.10.2.dev20260603
libtpu: 0.0.44.dev20260713+nightly
codegen_flags: <defaults>
</compile_context>

<pallas_src>
import dataclasses
import functools

import jax
import jax.numpy as jnp
from jax import lax
from jax.experimental import pallas as pl
from jax.experimental.pallas import tpu as pltpu
from jax.experimental.pallas import tpu_sc as plsc

N_USERS = 30000
N_ITEMS = 20000
N_ENTITIES = 50000
N_RELATIONS = 16
N_EDGES = 800000
N_INTER = 500000
DIM = 64
GAMMA = 0.6
MAX_ITER = 2

NHIST = N_ENTITIES * 32
EPAD = 16 * 512 * 98
MPAD = 16 * 512 * 62
SROWS = 51200
UROWS = 30720
IROWS = 20480
NREP = 256

f32 = jnp.float32
i32 = jnp.int32

_MESH = plsc.VectorSubcoreMesh(core_axis_name="c", subcore_axis_name="s")

_CP = pltpu.CompilerParams()
if "needs_layout_passes" in pltpu.CompilerParams.__dataclass_fields__:
    _CP = dataclasses.replace(_CP, needs_layout_passes=False)
if "use_tc_tiling_on_sc" in pltpu.CompilerParams.__dataclass_fields__:
    _CP = dataclasses.replace(_CP, use_tc_tiling_on_sc=False)


def _iota16():
    return lax.iota(i32, 16)


def _zero_fill(ref, n):
    @pl.loop(0, n, step=16)
    def _(i):
        ref[pl.ds(i, 16)] = jnp.zeros((16,), f32)


def _zero_fill2(ref, rows, width=16):
    @pl.loop(0, rows)
    def _(r):
        for cc in range(0, width, 16):
            ref[r, pl.ds(cc, 16)] = jnp.zeros((16,), f32)



def _hist_body(head_hbm, tail_hbm, type_hbm, out_hbm,
               h_ref, t_ref, tp_ref, idx_ref, val_ref, zbuf, acc, esem, ssem):
    cid = lax.axis_index("c")
    sid = lax.axis_index("s")
    nchunk = NHIST // 6400

    _zero_fill(zbuf, 6400)

    @pl.loop(0, 16)
    def _(it):
        ci = sid + it * 16

        @pl.when(ci < nchunk)
        def _():
            pltpu.sync_copy(zbuf, acc.at[pl.ds(ci * 6400, 6400)])

    plsc.subcore_barrier()

    wid = sid * 2 + cid
    nb = EPAD // (32 * 512)

    @pl.loop(0, nb)
    def _(b):
        base = (wid * nb + b) * 512
        eds = [pltpu.async_copy(head_hbm.at[pl.ds(base, 512)], h_ref, esem),
               pltpu.async_copy(tail_hbm.at[pl.ds(base, 512)], t_ref, esem),
               pltpu.async_copy(type_hbm.at[pl.ds(base, 512)], tp_ref, esem)]
        for ed in eds:
            ed.wait()

        @pl.loop(0, 32)
        def _(k):
            h = h_ref[pl.ds(k * 16, 16)]
            t = t_ref[pl.ds(k * 16, 16)]
            tp = tp_ref[pl.ds(k * 16, 16)]
            ha = (h < N_ITEMS).astype(i32)
            ta = (t < N_ITEMS).astype(i32)
            same_i = 1 - (ha ^ ta)
            flat = h * 32 + same_i * 16 + tp
            gi = base + k * 16 + _iota16()
            val = (gi < N_EDGES).astype(f32)
            idx_ref[k // 8, pl.ds((k % 8) * 16, 16)] = flat
            val_ref[k // 8, pl.ds((k % 8) * 16, 16)] = val

        sds = [pltpu.async_copy(val_ref.at[j], acc.at[idx_ref.at[j]], ssem,
                                add=True) for j in range(4)]
        for sd in sds:
            sd.wait()

    plsc.subcore_barrier()

    @pl.loop(0, 16)
    def _(it):
        ci = sid + it * 16

        @pl.when(ci < nchunk)
        def _():
            pltpu.sync_copy(acc.at[pl.ds(ci * 6400, 6400)], zbuf)
            pltpu.sync_copy(zbuf, out_hbm.at[cid].at[pl.ds(ci * 6400, 6400)])


@jax.jit
def _hist_call(head, tail, etype):
    k = pl.kernel(
        _hist_body,
        out_type=jax.ShapeDtypeStruct((2, NHIST), f32),
        mesh=_MESH,
        compiler_params=_CP,
        scratch_types=[
            pltpu.VMEM((512,), i32),
            pltpu.VMEM((512,), i32),
            pltpu.VMEM((512,), i32),
            pltpu.VMEM((4, 128), i32),
            pltpu.VMEM((4, 128), f32),
            pltpu.VMEM((6400,), f32),
            pltpu.VMEM_SHARED((NHIST,), f32),
            pltpu.SemaphoreType.DMA,
            pltpu.SemaphoreType.DMA,
        ],
    )
    return k(head, tail, etype)



def _scatsum_body(head_hbm, tail_hbm, type_hbm, tab_hbm, out_hbm,
                  h_ref, t_ref, tp_ref, gidx, didx,
                  ent_rows, zrow, acc, gsem, ssem, esem):
    cid = lax.axis_index("c")
    sid = lax.axis_index("s")
    nb = EPAD // (16 * 512)

    @pl.loop(0, 4)
    def _(j):
        _zero_fill2(zrow, 1600)

        @pl.loop(0, 2)
        def _(q):
            pltpu.sync_copy(zrow, acc.at[pl.ds(sid * 3200 + q * 1600, 1600)])

        plsc.subcore_barrier()

        @pl.loop(0, nb)
        def _(b):
            base = (sid * nb + b) * 512
            e1 = pltpu.async_copy(head_hbm.at[pl.ds(base, 512)], h_ref, esem)
            e2 = pltpu.async_copy(tail_hbm.at[pl.ds(base, 512)], t_ref, esem)
            e3 = pltpu.async_copy(type_hbm.at[pl.ds(base, 512)], tp_ref, esem)
            e1.wait()
            e2.wait()
            e3.wait()

            @pl.loop(0, 32)
            def _(k):
                h = h_ref[pl.ds(k * 16, 16)]
                t = t_ref[pl.ds(k * 16, 16)]
                tp = tp_ref[pl.ds(k * 16, 16)]
                ha = (h < N_ITEMS).astype(i32)
                ta = (t < N_ITEMS).astype(i32)
                same_i = 1 - (ha ^ ta)
                gi = base + k * 16 + _iota16()
                valid = (gi < N_EDGES).astype(i32)
                mine = valid * (1 - (same_i ^ cid))
                kr = k // 8
                kc = (k % 8) * 16
                gidx[kr, pl.ds(kc, 16)] = (t + (1 - cid) * (N_ENTITIES
                                                            + tp * N_ENTITIES)) * 4 + j
                didx[kr, pl.ds(kc, 16)] = (mine * h
                                           + (1 - mine) * (N_ENTITIES + _iota16()))

            gds = []
            for q in range(4):
                gds.append(pltpu.async_copy(tab_hbm.at[gidx.at[q]],
                                            ent_rows.at[pl.ds(q * 128, 128)],
                                            gsem))
            for gd in gds:
                gd.wait()

            sds = []
            for q in range(4):
                sds.append(pltpu.async_copy(ent_rows.at[pl.ds(q * 128, 128)],
                                            acc.at[didx.at[q]], ssem, add=True))
            for sd in sds:
                sd.wait()

        plsc.subcore_barrier()

        @pl.loop(0, 2)
        def _(q):
            off = sid * 3200 + q * 1600
            pltpu.sync_copy(acc.at[pl.ds(off, 1600)], zrow)
            pltpu.sync_copy(
                zrow, out_hbm.at[pl.ds((cid * 4 + j) * SROWS + off, 1600)])

        plsc.subcore_barrier()


@jax.jit
def _scatsum_call(head, tail, etype, tab):
    k = pl.kernel(
        _scatsum_body,
        out_type=jax.ShapeDtypeStruct((2 * 4 * SROWS, 16), f32),
        mesh=_MESH,
        compiler_params=_CP,
        scratch_types=[
            pltpu.VMEM((512,), i32),
            pltpu.VMEM((512,), i32),
            pltpu.VMEM((512,), i32),
            pltpu.VMEM((4, 128), i32),
            pltpu.VMEM((4, 128), i32),
            pltpu.VMEM((512, 16), f32),
            pltpu.VMEM((1600, 16), f32),
            pltpu.VMEM_SHARED((SROWS, 16), f32),
            pltpu.SemaphoreType.DMA,
            pltpu.SemaphoreType.DMA,
            pltpu.SemaphoreType.DMA,
        ],
    )
    return k(head, tail, etype, tab)



def _dots_body(rowp_hbm, colp_hbm, u2_hbm, z2_hbm, e_out, d_out,
               row_ref, col_ref, uidx, zidx, didx,
               u_rows, z_rows, dots, e_lin, zd, acc_d, esem, gsem, ssem):
    cid = lax.axis_index("c")
    sid = lax.axis_index("s")

    _zero_fill(zd, 1920)
    pltpu.sync_copy(zd, acc_d.at[pl.ds(sid * 1920, 1920)])
    plsc.subcore_barrier()

    nb = MPAD // (16 * 512)

    @pl.loop(0, nb)
    def _(b):
        base = (sid * nb + b) * 512
        eds = [pltpu.async_copy(rowp_hbm.at[pl.ds(base, 512)], row_ref, esem),
               pltpu.async_copy(colp_hbm.at[pl.ds(base, 512)], col_ref, esem)]
        for ed in eds:
            ed.wait()

        @pl.loop(0, 32)
        def _(k):
            r = row_ref[pl.ds(k * 16, 16)]
            c = col_ref[pl.ds(k * 16, 16)]
            kr = k // 8
            kc = (k % 8) * 16
            uidx[kr, pl.ds(kc, 16)] = cid * N_USERS + r
            zidx[kr, pl.ds(kc, 16)] = cid * N_ITEMS + c
            didx[kr, pl.ds(kc, 16)] = r

        gds = []
        for q in range(4):
            gds.append(pltpu.async_copy(u2_hbm.at[uidx.at[q]],
                                        u_rows.at[pl.ds(q * 128, 128)], gsem))
            gds.append(pltpu.async_copy(z2_hbm.at[zidx.at[q]],
                                        z_rows.at[pl.ds(q * 128, 128)], gsem))
        for gd in gds:
            gd.wait()

        @pl.loop(0, 32)
        def _(g):
            @pl.loop(0, 16)
            def _(r16):
                rr = g * 16 + r16
                part = (u_rows[rr, pl.ds(0, 16)] * z_rows[rr, pl.ds(0, 16)]
                        + u_rows[rr, pl.ds(16, 16)] * z_rows[rr, pl.ds(16, 16)]
                        + u_rows[rr, pl.ds(32, 16)] * z_rows[rr, pl.ds(32, 16)]
                        + u_rows[rr, pl.ds(48, 16)] * z_rows[rr, pl.ds(48, 16)])
                dots[pl.ds(r16 * 16, 16)] = part

            dv = plsc.load_gather(dots, [_iota16() * 16])
            for cc in range(1, 16):
                dv = dv + plsc.load_gather(dots, [_iota16() * 16 + cc])
            sig = 1.0 / (1.0 + jnp.exp(-dv))
            ev = jnp.exp(sig)
            gi = base + g * 16 + _iota16()
            ev = ev * (gi < N_INTER).astype(f32)
            e_lin[pl.ds(g * 16, 16)] = ev

        pltpu.sync_copy(e_lin, e_out.at[cid].at[pl.ds(base, 512)])

        sds = [pltpu.async_copy(e_lin.at[pl.ds(q * 128, 128)],
                                acc_d.at[didx.at[q]], ssem, add=True)
               for q in range(4)]
        for sd in sds:
            sd.wait()

    plsc.subcore_barrier()
    pltpu.sync_copy(acc_d.at[pl.ds(sid * 1920, 1920)], zd)
    pltpu.sync_copy(zd, d_out.at[cid].at[pl.ds(sid * 1920, 1920)])


@jax.jit
def _dots_call(rowp, colp, u2, z2):
    k = pl.kernel(
        _dots_body,
        out_type=(jax.ShapeDtypeStruct((2, MPAD), f32),
                  jax.ShapeDtypeStruct((2, UROWS), f32)),
        mesh=_MESH,
        compiler_params=_CP,
        scratch_types=[
            pltpu.VMEM((512,), i32),
            pltpu.VMEM((512,), i32),
            pltpu.VMEM((4, 128), i32),
            pltpu.VMEM((4, 128), i32),
            pltpu.VMEM((4, 128), i32),
            pltpu.VMEM((512, 64), f32),
            pltpu.VMEM((512, 64), f32),
            pltpu.VMEM((256,), f32),
            pltpu.VMEM((512,), f32),
            pltpu.VMEM((1920,), f32),
            pltpu.VMEM_SHARED((UROWS,), f32),
            pltpu.SemaphoreType.DMA,
            pltpu.SemaphoreType.DMA,
            pltpu.SemaphoreType.DMA,
        ],
    )
    return k(rowp, colp, u2, z2)



def _uacc_body(rowp_hbm, colp_hbm, e2_hbm, dflat_hbm, v2h_hbm,
               usum_out, mask_out,
               row_ref, col_ref, vidx, dpi, dci,
               ep_lin, ec_lin, dp_lin, dc_lin, s_all, mask_lin,
               item_rows, zu, acc_u, esem, gsem, vsem, ssem):
    cid = lax.axis_index("c")
    sid = lax.axis_index("s")

    nb = MPAD // (16 * 512)
    cidf = cid.astype(f32)

    @pl.loop(0, 2)
    def _(jj):
        _zero_fill2(zu, 384, 32)

        @pl.loop(0, 5)
        def _(q):
            pltpu.sync_copy(zu, acc_u.at[pl.ds(sid * 1920 + q * 384, 384)])

        plsc.subcore_barrier()

        @pl.loop(0, nb)
        def _(b):
            base = (sid * nb + b) * 512
            sbase = b * 512
            pltpu.sync_copy(rowp_hbm.at[pl.ds(base, 512)], row_ref)
            pltpu.sync_copy(colp_hbm.at[pl.ds(base, 512)], col_ref)

            @pl.when(jj == 0)
            def _():
                eds = [pltpu.async_copy(e2_hbm.at[0].at[pl.ds(base, 512)],
                                        ep_lin, esem),
                       pltpu.async_copy(e2_hbm.at[1].at[pl.ds(base, 512)],
                                        ec_lin, esem)]
                for ed in eds:
                    ed.wait()

            @pl.loop(0, 32)
            def _(k):
                r = row_ref[pl.ds(k * 16, 16)]
                c = col_ref[pl.ds(k * 16, 16)]
                kr = k // 8
                kc = (k % 8) * 16
                vidx[kr, pl.ds(kc, 16)] = (cid * N_ITEMS + c) * 2 + jj
                dpi[kr, pl.ds(kc, 16)] = r
                dci[kr, pl.ds(kc, 16)] = UROWS + r

            @pl.when(jj == 0)
            def _():
                gds = []
                for q in range(4):
                    gds.append(pltpu.async_copy(dflat_hbm.at[dpi.at[q]],
                                                dp_lin.at[pl.ds(q * 128, 128)],
                                                gsem))
                    gds.append(pltpu.async_copy(dflat_hbm.at[dci.at[q]],
                                                dc_lin.at[pl.ds(q * 128, 128)],
                                                gsem))
                for gd in gds:
                    gd.wait()

            vds = [pltpu.async_copy(v2h_hbm.at[vidx.at[q]],
                                    item_rows.at[pl.ds(q * 128, 128)], vsem)
                   for q in range(4)]
            for vd in vds:
                vd.wait()

            @pl.when(jj == 0)
            def _():
                @pl.loop(0, 32)
                def _(g):
                    sl = pl.ds(g * 16, 16)
                    p = ep_lin[sl] / dp_lin[sl]
                    pcf = ec_lin[sl] / dc_lin[sl]
                    sigp = 1.0 / (1.0 + jnp.exp(-p))
                    sigc = 1.0 / (1.0 + jnp.exp(-pcf))
                    m = (jnp.abs(sigp - sigc) < GAMMA).astype(f32)
                    gi = base + g * 16 + _iota16()
                    validf = (gi < N_INTER).astype(f32)
                    s = (p * (1.0 - cidf) + pcf * cidf) * m * validf
                    s_all[pl.ds(sbase + g * 16, 16)] = s
                    mask_lin[sl] = m.astype(i32)

            @pl.loop(0, 512)
            def _(r):
                sv = plsc.load_gather(s_all, [_iota16() * 0 + (sbase + r)])
                item_rows[r, pl.ds(0, 16)] = item_rows[r, pl.ds(0, 16)] * sv
                item_rows[r, pl.ds(16, 16)] = item_rows[r, pl.ds(16, 16)] * sv

            sds = [pltpu.async_copy(item_rows.at[pl.ds(q * 128, 128)],
                                    acc_u.at[dpi.at[q]], ssem, add=True)
                   for q in range(4)]
            for sd in sds:
                sd.wait()

            @pl.when(cid + jj == 0)
            def _():
                pltpu.sync_copy(mask_lin, mask_out.at[pl.ds(base, 512)])

        plsc.subcore_barrier()

        @pl.loop(0, 5)
        def _(q):
            off = sid * 1920 + q * 384
            pltpu.sync_copy(acc_u.at[pl.ds(off, 384)], zu)
            pltpu.sync_copy(
                zu, usum_out.at[pl.ds((cid * 2 + jj) * UROWS + off, 384)])

        plsc.subcore_barrier()


@jax.jit
def _uacc_call(rowp, colp, e2, dflat, v2h):
    k = pl.kernel(
        _uacc_body,
        out_type=(jax.ShapeDtypeStruct((2 * 2 * UROWS, 32), f32),
                  jax.ShapeDtypeStruct((MPAD,), i32)),
        mesh=_MESH,
        compiler_params=_CP,
        scratch_types=[
            pltpu.VMEM((512,), i32),
            pltpu.VMEM((512,), i32),
            pltpu.VMEM((4, 128), i32),
            pltpu.VMEM((4, 128), i32),
            pltpu.VMEM((4, 128), i32),
            pltpu.VMEM((512,), f32),
            pltpu.VMEM((512,), f32),
            pltpu.VMEM((512,), f32),
            pltpu.VMEM((512,), f32),
            pltpu.VMEM((MPAD // 16,), f32),
            pltpu.VMEM((512,), i32),
            pltpu.VMEM((512, 32), f32),
            pltpu.VMEM((384, 32), f32),
            pltpu.VMEM_SHARED((UROWS, 32), f32),
            pltpu.SemaphoreType.DMA,
            pltpu.SemaphoreType.DMA,
            pltpu.SemaphoreType.DMA,
            pltpu.SemaphoreType.DMA,
        ],
    )
    return k(rowp, colp, e2, dflat, v2h)



def _iagg_body(rowp_hbm, colp_hbm, ucfh_hbm, isum_out, icnt_out,
               row_ref, col_ref, uidx, didx, cval,
               u_rows, zi, zc, acc_i, acc_c, esem, gsem, ssem, csem):
    cid = lax.axis_index("c")
    sid = lax.axis_index("s")

    _zero_fill(zc, 1280)
    pltpu.sync_copy(zc, acc_c.at[pl.ds(sid * 1280, 1280)])

    wid = sid * 2 + cid
    nb = MPAD // (32 * 512)

    @pl.loop(0, 2)
    def _(jj):
        _zero_fill2(zi, 320, 32)

        @pl.loop(0, 4)
        def _(q):
            pltpu.sync_copy(zi, acc_i.at[pl.ds(sid * 1280 + q * 320, 320)])

        plsc.subcore_barrier()

        @pl.loop(0, nb)
        def _(b):
            base = (wid * nb + b) * 512
            eds = [pltpu.async_copy(rowp_hbm.at[pl.ds(base, 512)], row_ref, esem),
                   pltpu.async_copy(colp_hbm.at[pl.ds(base, 512)], col_ref, esem)]
            for ed in eds:
                ed.wait()

            @pl.loop(0, 32)
            def _(k):
                r = row_ref[pl.ds(k * 16, 16)]
                c = col_ref[pl.ds(k * 16, 16)]
                gi = base + k * 16 + _iota16()
                valid = (gi < N_INTER).astype(i32)
                dst = valid * c + (1 - valid) * (N_ITEMS + _iota16())
                kr = k // 8
                kc = (k % 8) * 16
                uidx[kr, pl.ds(kc, 16)] = r * 2 + jj
                didx[kr, pl.ds(kc, 16)] = dst
                cval[kr, pl.ds(kc, 16)] = valid.astype(f32)

            gds = [pltpu.async_copy(ucfh_hbm.at[uidx.at[q]],
                                    u_rows.at[pl.ds(q * 128, 128)], gsem)
                   for q in range(4)]
            for gd in gds:
                gd.wait()

            sds = [pltpu.async_copy(u_rows.at[pl.ds(q * 128, 128)],
                                    acc_i.at[didx.at[q]], ssem, add=True)
                   for q in range(4)]

            @pl.when(jj == 0)
            def _():
                cds = [pltpu.async_copy(cval.at[q], acc_c.at[didx.at[q]],
                                        csem, add=True) for q in range(4)]
                for cd in cds:
                    cd.wait()

            for sd in sds:
                sd.wait()

        plsc.subcore_barrier()

        @pl.loop(0, 4)
        def _(q):
            off = sid * 1280 + q * 320
            pltpu.sync_copy(acc_i.at[pl.ds(off, 320)], zi)
            pltpu.sync_copy(
                zi, isum_out.at[pl.ds((cid * 2 + jj) * IROWS + off, 320)])

        plsc.subcore_barrier()

    pltpu.sync_copy(acc_c.at[pl.ds(sid * 1280, 1280)], zc)
    pltpu.sync_copy(zc, icnt_out.at[cid].at[pl.ds(sid * 1280, 1280)])


@jax.jit
def _iagg_call(rowp, colp, ucfh):
    k = pl.kernel(
        _iagg_body,
        out_type=(jax.ShapeDtypeStruct((2 * 2 * IROWS, 32), f32),
                  jax.ShapeDtypeStruct((2, IROWS), f32)),
        mesh=_MESH,
        compiler_params=_CP,
        scratch_types=[
            pltpu.VMEM((512,), i32),
            pltpu.VMEM((512,), i32),
            pltpu.VMEM((4, 128), i32),
            pltpu.VMEM((4, 128), i32),
            pltpu.VMEM((4, 128), f32),
            pltpu.VMEM((512, 32), f32),
            pltpu.VMEM((320, 32), f32),
            pltpu.VMEM((1280,), f32),
            pltpu.VMEM_SHARED((IROWS, 32), f32),
            pltpu.VMEM_SHARED((IROWS,), f32),
            pltpu.SemaphoreType.DMA,
            pltpu.SemaphoreType.DMA,
            pltpu.SemaphoreType.DMA,
            pltpu.SemaphoreType.DMA,
        ],
    )
    return k(rowp, colp, ucfh)



def kernel(entity_emb, user_emb, user_emb_cf, item_emb_cf, relation_weight,
           W1_w, W1_b, W2_w, W2_b, edge_index, edge_type, interact_mat):
    epad = EPAD - N_EDGES
    pad_h = (jnp.arange(epad, dtype=i32) * 37) % N_ENTITIES
    head = jnp.concatenate([edge_index[0], pad_h])
    tail = jnp.concatenate([edge_index[1], pad_h])
    etype = jnp.pad(edge_type, (0, epad))

    mpad = MPAD - N_INTER
    pad_r = (jnp.arange(mpad, dtype=i32) * 53) % N_USERS
    pad_c = (jnp.arange(mpad, dtype=i32) * 41) % N_ITEMS
    rowp = jnp.concatenate([interact_mat[:, 0], pad_r])
    colp = jnp.concatenate([interact_mat[:, 1], pad_c])

    tab = jnp.concatenate(
        [entity_emb[None], relation_weight[:, None, :] * entity_emb[None]],
        axis=0).reshape(-1, 16)

    hist2 = _hist_call(head, tail, etype)
    s4 = _scatsum_call(head, tail, etype, tab).reshape(2, 4, SROWS, 16)

    hist = (hist2[0] + hist2[1]).reshape(N_ENTITIES, 2, 16)
    cnt_cross = hist[:, 0, :].sum(1)
    cnt_same = hist[:, 1, :].sum(1)
    sum_same_erel = hist[:, 1, :] @ relation_weight
    rel_sum = (hist[:, 0, :] + hist[:, 1, :]) @ relation_weight
    rel_ = rel_sum / jnp.clip(cnt_cross + cnt_same, 1.0, None)[:, None]

    s_all = s4[:, :, :N_ENTITIES, :].transpose(0, 2, 1, 3).reshape(2, N_ENTITIES, DIM)
    S1 = s_all[0]
    S2 = s_all[1] + sum_same_erel
    agg1 = jax.nn.leaky_relu(S1 / jnp.clip(cnt_cross, 1.0, None)[:, None] @ W1_w.T + W1_b, 0.01) / 2.0
    agg2 = jax.nn.leaky_relu(S2 / jnp.clip(cnt_same, 1.0, None)[:, None] @ W2_w.T + W2_b, 0.01) / 2.0
    entity_agg = agg1 + agg2

    item_emb_kg = entity_emb[:N_ITEMS]
    z = rel_[:N_ITEMS] * item_emb_kg
    v2h = jnp.concatenate([item_emb_kg, item_emb_cf]).reshape(2 * 2 * N_ITEMS, 32)
    z2 = jnp.concatenate([z, item_emb_cf])

    u = user_emb
    ucf = user_emb_cf
    mask_pad = None
    for i in range(MAX_ITER):
        u2 = jnp.concatenate([u, ucf])
        e2, d2 = _dots_call(rowp, colp, u2, z2)
        usum, mask_pad = _uacc_call(rowp, colp, e2, d2.reshape(-1), v2h)
        usum = usum.reshape(2, 2, UROWS, 32)
        u = jnp.concatenate([usum[0, 0, :N_USERS], usum[0, 1, :N_USERS]], axis=1)
        ucf = jnp.concatenate([usum[1, 0, :N_USERS], usum[1, 1, :N_USERS]], axis=1)
        if i < MAX_ITER - 1:
            u = u / jnp.clip(jnp.linalg.norm(u, axis=1, keepdims=True), 1e-12, None)
            ucf = ucf / jnp.clip(jnp.linalg.norm(ucf, axis=1, keepdims=True), 1e-12, None)

    ucfh = user_emb_cf.reshape(2 * N_USERS, 32)
    isum, icnt = _iagg_call(rowp, colp, ucfh)
    isum = isum.reshape(2, 2, IROWS, 32)
    ic = jnp.clip(icnt[0, :N_ITEMS] + icnt[1, :N_ITEMS], 1.0, None)[:, None]
    item_sum = jnp.concatenate([isum[0, 0, :N_ITEMS] + isum[1, 0, :N_ITEMS],
                                isum[0, 1, :N_ITEMS] + isum[1, 1, :N_ITEMS]], axis=1)
    item_agg = item_sum / ic

    return (entity_agg, u, ucf, item_agg, mask_pad[:N_INTER])

# --- scband reference (transcript-rebuilt; emitter-appended) ---
"""Pipeline reference for scband-recommender-35837207118176 (READ-ONLY COPY).

The authoritative reference and input builder live on the scoring server;
editing this copy changes nothing except your own understanding.
"""

import jax, jax.numpy as jnp
import numpy as np

N_USERS = 30000
N_ITEMS = 20000
N_ENTITIES = 50000
N_RELATIONS = 16
N_EDGES = 800000
N_INTER = 500000
DIM = 64
GAMMA = 0.6
MAX_ITER = 2


def _seg_sum(src, index, num):
    return jax.ops.segment_sum(src, index, num_segments=num)


def _scatter_mean_w(src, index, w, num):
    s = jax.ops.segment_sum(src * w[:, None], index, num_segments=num)
    c = jax.ops.segment_sum(w, index, num_segments=num)
    return s / jnp.clip(c, 1.0, None)[:, None]


def _scatter_softmax(src, index, num):
    m = jax.ops.segment_max(src, index, num_segments=num)
    e = jnp.exp(src - m[index])
    d = jax.ops.segment_sum(e, index, num_segments=num)
    return e / d[index]


def _normalize(x):
    n = jnp.linalg.norm(x, axis=1, keepdims=True)
    return x / jnp.clip(n, 1e-12, None)


def setup_inputs(seed: int = 0):
    key = jax.random.key(seed)
    ks = jax.random.split(key, 12)
    inp = {}
    inp["entity_emb"] = jax.random.normal(ks[0], (N_ENTITIES, DIM), jnp.float32)
    inp["user_emb"] = jax.random.normal(ks[1], (N_USERS, DIM), jnp.float32)
    inp["user_emb_cf"] = jax.random.normal(ks[2], (N_USERS, DIM), jnp.float32)
    inp["item_emb_cf"] = jax.random.normal(ks[3], (N_ITEMS, DIM), jnp.float32)
    inp["relation_weight"] = jax.random.normal(ks[4], (N_RELATIONS, DIM), jnp.float32)
    inp["W1_w"] = jax.random.normal(ks[5], (DIM, DIM), jnp.float32) * 0.05
    inp["W1_b"] = jnp.zeros((DIM,), jnp.float32)
    inp["W2_w"] = jax.random.normal(ks[6], (DIM, DIM), jnp.float32) * 0.05
    inp["W2_b"] = jnp.zeros((DIM,), jnp.float32)
    inp["edge_index"] = jax.random.randint(ks[7], (2, N_EDGES), 0, N_ENTITIES, jnp.int32)
    inp["edge_type"] = jax.random.randint(ks[8], (N_EDGES,), 0, N_RELATIONS, jnp.int32)
    inp["interact_mat"] = jax.random.randint(ks[9], (N_INTER, 2), 0, N_ITEMS, jnp.int32)
    return inp


def reference(entity_emb, user_emb, user_emb_cf, item_emb_cf, relation_weight, W1_w, W1_b, W2_w, W2_b, edge_index, edge_type, interact_mat):
    head = edge_index[0]
    tail = edge_index[1]
    idx = edge_index < N_ITEMS
    cross = jnp.logical_xor(idx[0], idx[1]).astype(jnp.float32)
    same = 1.0 - cross
    erel = relation_weight[edge_type]
    # cross edges: multiplicative relation composition, then mean-aggregate by head
    neigh1 = entity_emb[tail] * erel
    agg1 = _scatter_mean_w(neigh1, head, cross, N_ENTITIES)
    agg1 = jax.nn.leaky_relu(agg1 @ W1_w.T + W1_b, 0.01) / 2.0
    # same-side edges: additive relation composition
    neigh2 = entity_emb[tail] + erel
    agg2 = _scatter_mean_w(neigh2, head, same, N_ENTITIES)
    agg2 = jax.nn.leaky_relu(agg2 @ W2_w.T + W2_b, 0.01) / 2.0
    entity_agg = agg1 + agg2
    rel_ = _scatter_mean_w(erel, head, jnp.ones((N_EDGES,), jnp.float32), N_ENTITIES)

    mat_row = interact_mat[:, 0]
    mat_col = interact_mat[:, 1]
    item_emb_kg = entity_emb[:N_ITEMS]
    rel_i = rel_[:N_ITEMS]
    u = None
    ucf = None
    mask = None
    for i in range(MAX_ITER):
        if u is None:
            p = jax.nn.sigmoid(jnp.sum(user_emb[mat_row] * rel_i[mat_col] * item_emb_kg[mat_col], axis=1))
            pcf = jax.nn.sigmoid(jnp.sum(user_emb_cf[mat_row] * item_emb_cf[mat_col], axis=1))
        else:
            p = jax.nn.sigmoid(jnp.sum(u[mat_row] * rel_i[mat_col] * item_emb_kg[mat_col], axis=1))
            pcf = jax.nn.sigmoid(jnp.sum(ucf[mat_row] * item_emb_cf[mat_col], axis=1))
        p = _scatter_softmax(p, mat_row, N_USERS)
        pcf = _scatter_softmax(pcf, mat_row, N_USERS)
        mask = (jnp.abs(jax.nn.sigmoid(p) - jax.nn.sigmoid(pcf)) < GAMMA).astype(jnp.float32)[:, None]
        u = _seg_sum(item_emb_kg[mat_col] * p[:, None] * mask, mat_row, N_USERS)
        ucf = _seg_sum(item_emb_cf[mat_col] * pcf[:, None] * mask, mat_row, N_USERS)
        if i < MAX_ITER - 1:
            u = _normalize(u)
            ucf = _normalize(ucf)
    item_agg = _scatter_mean_w(user_emb_cf[mat_row], mat_col, jnp.ones((N_INTER,), jnp.float32), N_ITEMS)
    return (entity_agg, u, ucf, item_agg, mask.reshape(-1).astype(jnp.int32))

if __name__ == "__main__":
    import jax
    _d = setup_inputs()
    print(jax.jit(kernel)(*tuple(_d.values())))

</pallas_src>

<mosaic_0001>
#map = affine_map<(d0, d1) -> (0)>
#map1 = affine_map<(d0, d1) -> (0, 0)>
module attributes {stable_mosaic.version = 14 : i64} {
  func.func @_hist_body(%arg0: i32, %arg1: i32, %arg2: memref<802816xi32, #tpu.memory_space<hbm>>, %arg3: memref<802816xi32, #tpu.memory_space<hbm>>, %arg4: memref<802816xi32, #tpu.memory_space<hbm>>, %arg5: memref<2x1600000xf32, #tpu.memory_space<hbm>>, %arg6: memref<512xi32, #tpu.memory_space<vmem>>, %arg7: memref<512xi32, #tpu.memory_space<vmem>>, %arg8: memref<512xi32, #tpu.memory_space<vmem>>, %arg9: memref<4x128xi32, #tpu.memory_space<vmem>>, %arg10: memref<4x128xf32, #tpu.memory_space<vmem>>, %arg11: memref<6400xf32, #tpu.memory_space<vmem>>, %arg12: memref<1600000xf32, #tpu.memory_space<vmem_shared>>, %arg13: memref<!tpu.dma_semaphore, #tpu.memory_space<semaphore_mem>>, %arg14: memref<!tpu.dma_semaphore, #tpu.memory_space<semaphore_mem>>) attributes {dimension_semantics = [#tpu.dimension_semantics<core_parallel>, #tpu.dimension_semantics<subcore_parallel>], iteration_bounds = array<i64: 2, 16>, scalar_prefetch = 0 : i64, scratch_operands = 9 : i64, tpu.core_type = #tpu.core_type<sc_vector_subcore>, window_params = [{transform_indices = #map}, {transform_indices = #map}, {transform_indices = #map}, {transform_indices = #map1}]} {
    %scan3A = arith.constant 0 : i32
    %scan3A_0 = arith.constant 400 : i32
    %scan3A_1 = arith.addi %scan3A, %scan3A_0 : i32
    %scan3A_2 = arith.constant 1 : i32
    scf.for %scan3A_21 = %scan3A to %scan3A_1 step %scan3A_2  : i32 {
      %mul3A_22 = arith.constant 16 : i32
      %mul3A_23 = arith.muli %scan3A_21, %mul3A_22 : i32
      %add3A_24 = arith.constant 0 : i32
      %add3A_25 = arith.addi %add3A_24, %mul3A_23 : i32
      %broadcast_in_dim3A = arith.constant 0.000000e+00 : f32
      %broadcast_in_dim3A_26 = vector.broadcast %broadcast_in_dim3A : f32 to vector<16xf32>
      %swap3A = arith.index_cast %add3A_25 : i32 to index
      %swap3A_27 = tpu.vector_load %arg11[%swap3A] {strides = array<i32>} : memref<6400xf32, #tpu.memory_space<vmem>>, vector<16xf32>,
      tpu.vector_store %arg11[%swap3A], %broadcast_in_dim3A_26 {strides = array<i32>} : memref<6400xf32, #tpu.memory_space<vmem>>, vector<16xf32>,
    }
    %scan3A_3 = arith.constant 400 : i32
    %scan3A_4 = arith.constant 0 : i32
    %scan3A_5 = arith.constant 16 : i32
    %scan3A_6 = arith.addi %scan3A_4, %scan3A_5 : i32
    %scan3A_7 = arith.constant 1 : i32
    scf.for %scan3A_21 = %scan3A_4 to %scan3A_6 step %scan3A_7  : i32 {
      %mul3A_22 = arith.constant 1 : i32
      %mul3A_23 = arith.muli %scan3A_21, %mul3A_22 : i32
      %add3A_24 = arith.constant 0 : i32
      %add3A_25 = arith.addi %add3A_24, %mul3A_23 : i32
      %mul3A_26 = arith.constant 16 : i32
      %mul3A_27 = arith.muli %add3A_25, %mul3A_26 : i32
      %add3A_28 = arith.addi %arg1, %mul3A_27 : i32
      %lt3A = arith.constant 250 : i32
      %lt3A_29 = arith.cmpi slt, %add3A_28, %lt3A : i32
      %convert_element_type3A = arith.extui %lt3A_29 : i1 to i32
      %cond3A = arith.constant 0 : i32
      %cond3A_30 = arith.cmpi ne, %convert_element_type3A, %cond3A : i32
      scf.if %cond3A_30 {
        %mul3A_31 = arith.constant 6400 : i32
        %mul3A_32 = arith.muli %add3A_28, %mul3A_31 : i32
        "tpu.region"() ({
          %run_scoped3A = tpu.sem_alloc : memref<!tpu.dma_semaphore, #tpu.memory_space<semaphore_mem>>
          %dma_start3A = tpu.memref_slice %arg12[%mul3A_32] : memref<1600000xf32, #tpu.memory_space<vmem_shared>> -> memref<6400xf32, #tpu.memory_space<vmem_shared>>
          %dma_start3A_33 = tpu.memref_slice %arg12[%mul3A_32] : memref<1600000xf32, #tpu.memory_space<vmem_shared>> -> memref<6400xf32, #tpu.memory_space<vmem_shared>>
          tpu.enqueue_dma source(%arg11 : memref<6400xf32, #tpu.memory_space<vmem>>) target(%dma_start3A_33 : memref<6400xf32, #tpu.memory_space<vmem_shared>>) target_semaphore(%run_scoped3A : memref<!tpu.dma_semaphore, #tpu.memory_space<semaphore_mem>>)
          %dma_wait3A = tpu.memref_slice %arg12[%mul3A_32] : memref<1600000xf32, #tpu.memory_space<vmem_shared>> -> memref<6400xf32, #tpu.memory_space<vmem_shared>>
          %dma_wait3A_34 = tpu.memref_slice %arg12[%mul3A_32] : memref<1600000xf32, #tpu.memory_space<vmem_shared>> -> memref<6400xf32, #tpu.memory_space<vmem_shared>>
          tpu.wait_dma2 semaphore(%run_scoped3A : memref<!tpu.dma_semaphore, #tpu.memory_space<semaphore_mem>>) src(%arg11 : memref<6400xf32, #tpu.memory_space<vmem>>) dst(%dma_wait3A_34 : memref<6400xf32, #tpu.memory_space<vmem_shared>>)
          tpu.yield
        }) : () -> ()
      } else {
      }
    }
    %scan3A_8 = arith.constant 16 : i32
    %barrier3A = arith.constant 0 : index
    tpu.barrier barrier_id(%barrier3A)
    %mul3A = arith.constant 2 : i32
    %mul3A_9 = arith.muli %arg1, %mul3A : i32
    %add3A = arith.addi %mul3A_9, %arg0 : i32
    %scan3A_10 = arith.constant 0 : i32
    %scan3A_11 = arith.constant 49 : i32
    %scan3A_12 = arith.addi %scan3A_10, %scan3A_11 : i32
    %scan3A_13 = arith.constant 1 : i32
    scf.for %scan3A_21 = %scan3A_10 to %scan3A_12 step %scan3A_13  : i32 {
      %mul3A_22 = arith.constant 1 : i32
      %mul3A_23 = arith.muli %scan3A_21, %mul3A_22 : i32
      %add3A_24 = arith.constant 0 : i32
      %add3A_25 = arith.addi %add3A_24, %mul3A_23 : i32
      %mul3A_26 = arith.constant 49 : i32
      %mul3A_27 = arith.muli %add3A, %mul3A_26 : i32
      %add3A_28 = arith.addi %mul3A_27, %add3A_25 : i32
      %mul3A_29 = arith.constant 512 : i32
      %mul3A_30 = arith.muli %add3A_28, %mul3A_29 : i32
      %dma_start3A = tpu.memref_slice %arg2[%mul3A_30] : memref<802816xi32, #tpu.memory_space<hbm>> -> memref<512xi32, #tpu.memory_space<hbm>>
      %dma_start3A_31 = tpu.memref_slice %arg2[%mul3A_30] : memref<802816xi32, #tpu.memory_space<hbm>> -> memref<512xi32, #tpu.memory_space<hbm>>
      tpu.enqueue_dma source(%dma_start3A_31 : memref<512xi32, #tpu.memory_space<hbm>>) target(%arg6 : memref<512xi32, #tpu.memory_space<vmem>>) target_semaphore(%arg13 : memref<!tpu.dma_semaphore, #tpu.memory_space<semaphore_mem>>)
      %dma_start3A_32 = tpu.memref_slice %arg3[%mul3A_30] : memref<802816xi32, #tpu.memory_space<hbm>> -> memref<512xi32, #tpu.memory_space<hbm>>
      %dma_start3A_33 = tpu.memref_slice %arg3[%mul3A_30] : memref<802816xi32, #tpu.memory_space<hbm>> -> memref<512xi32, #tpu.memory_space<hbm>>
      tpu.enqueue_dma source(%dma_start3A_33 : memref<512xi32, #tpu.memory_space<hbm>>) target(%arg7 : memref<512xi32, #tpu.memory_space<vmem>>) target_semaphore(%arg13 : memref<!tpu.dma_semaphore, #tpu.memory_space<semaphore_mem>>)
      %dma_start3A_34 = tpu.memref_slice %arg4[%mul3A_30] : memref<802816xi32, #tpu.memory_space<hbm>> -> memref<512xi32, #tpu.memory_space<hbm>>
      %dma_start3A_35 = tpu.memref_slice %arg4[%mul3A_30] : memref<802816xi32, #tpu.memory_space<hbm>> -> memref<512xi32, #tpu.memory_space<hbm>>
      tpu.enqueue_dma source(%dma_start3A_35 : memref<512xi32, #tpu.memory_space<hbm>>) target(%arg8 : memref<512xi32, #tpu.memory_space<vmem>>) target_semaphore(%arg13 : memref<!tpu.dma_semaphore, #tpu.memory_space<semaphore_mem>>)
      %dma_wait3A = tpu.memref_slice %arg2[%mul3A_30] : memref<802816xi32, #tpu.memory_space<hbm>> -> memref<512xi32, #tpu.memory_space<hbm>>
      %dma_wait3A_36 = tpu.memref_slice %arg2[%mul3A_30] : memref<802816xi32, #tpu.memory_space<hbm>> -> memref<512xi32, #tpu.memory_space<hbm>>
      tpu.wait_dma2 semaphore(%arg13 : memref<!tpu.dma_semaphore, #tpu.memory_space<semaphore_mem>>) src(%dma_wait3A_36 : memref<512xi32, #tpu.memory_space<hbm>>) dst(%arg6 : memref<512xi32, #tpu.memory_space<vmem>>)
      %dma_wait3A_37 = tpu.memref_slice %arg3[%mul3A_30] : memref<802816xi32, #tpu.memory_space<hbm>> -> memref<512xi32, #tpu.memory_space<hbm>>
      %dma_wait3A_38 = tpu.memref_slice %arg3[%mul3A_30] : memref<802816xi32, #tpu.memory_space<hbm>> -> memref<512xi32, #tpu.memory_space<hbm>>
      tpu.wait_dma2 semaphore(%arg13 : memref<!tpu.dma_semaphore, #tpu.memory_space<semaphore_mem>>) src(%dma_wait3A_38 : memref<512xi32, #tpu.memory_space<hbm>>) dst(%arg7 : memref<512xi32, #tpu.memory_space<vmem>>)
      %dma_wait3A_39 = tpu.memref_slice %arg4[%mul3A_30] : memref<802816xi32, #tpu.memory_space<hbm>> -> memref<512xi32, #tpu.memory_space<hbm>>
      %dma_wait3A_40 = tpu.memref_slice %arg4[%mul3A_30] : memref<802816xi32, #tpu.memory_space<hbm>> -> memref<512xi32, #tpu.memory_space<hbm>>
      tpu.wait_dma2 semaphore(%arg13 : memref<!tpu.dma_semaphore, #tpu.memory_space<semaphore_mem>>) src(%dma_wait3A_40 : memref<512xi32, #tpu.memory_space<hbm>>) dst(%arg8 : memref<512xi32, #tpu.memory_space<vmem>>)
      %scan3A_41 = arith.constant 0 : i32
      %scan3A_42 = arith.constant 32 : i32
      %scan3A_43 = arith.addi %scan3A_41, %scan3A_42 : i32
      %scan3A_44 = arith.constant 1 : i32
      scf.for %scan3A_126 = %scan3A_41 to %scan3A_43 step %scan3A_44  : i32 {
        %mul3A_127 = arith.constant 1 : i32
        %mul3A_128 = arith.muli %scan3A_126, %mul3A_127 : i32
        %add3A_129 = arith.constant 0 : i32
        %add3A_130 = arith.addi %add3A_129, %mul3A_128 : i32
        %mul3A_131 = arith.constant 16 : i32
        %mul3A_132 = arith.muli %add3A_130, %mul3A_131 : i32
        %get3A = arith.index_cast %mul3A_132 : i32 to index
        %get3A_133 = tpu.vector_load %arg6[%get3A] {strides = array<i32>} : memref<512xi32, #tpu.memory_space<vmem>>, vector<16xi32>,
        %mul3A_134 = arith.constant 16 : i32
        %mul3A_135 = arith.muli %add3A_130, %mul3A_134 : i32
        %get3A_136 = arith.index_cast %mul3A_135 : i32 to index
        %get3A_137 = tpu.vector_load %arg7[%get3A_136] {strides = array<i32>} : memref<512xi32, #tpu.memory_space<vmem>>, vector<16xi32>,
        %mul3A_138 = arith.constant 16 : i32
        %mul3A_139 = arith.muli %add3A_130, %mul3A_138 : i32
        %get3A_140 = arith.index_cast %mul3A_139 : i32 to index
        %get3A_141 = tpu.vector_load %arg8[%get3A_140] {strides = array<i32>} : memref<512xi32, #tpu.memory_space<vmem>>, vector<16xi32>,
        %lt3A = arith.constant 20000 : i32
        %lt3A_142 = vector.broadcast %lt3A : i32 to vector<16xi32>
        %lt3A_143 = arith.cmpi slt, %get3A_133, %lt3A_142 : vector<16xi32>
        %convert_element_type3A = arith.extui %lt3A_143 : vector<16xi1> to vector<16xi32>
        %lt3A_144 = arith.constant 20000 : i32
        %lt3A_145 = vector.broadcast %lt3A_144 : i32 to vector<16xi32>
        %lt3A_146 = arith.cmpi slt, %get3A_137, %lt3A_145 : vector<16xi32>
        %convert_element_type3A_147 = arith.extui %lt3A_146 : vector<16xi1> to vector<16xi32>
        %xor3A = arith.xori %convert_element_type3A, %convert_element_type3A_147 : vector<16xi32>
        %sub3A = arith.constant 1 : i32
        %sub3A_148 = vector.broadcast %sub3A : i32 to vector<16xi32>
        %sub3A_149 = arith.subi %sub3A_148, %xor3A : vector<16xi32>
        %mul3A_150 = arith.constant 32 : i32
        %mul3A_151 = vector.broadcast %mul3A_150 : i32 to vector<16xi32>
        %mul3A_152 = arith.muli %get3A_133, %mul3A_151 : vector<16xi32>
        %mul3A_153 = arith.constant 16 : i32
        %mul3A_154 = vector.broadcast %mul3A_153 : i32 to vector<16xi32>
        %mul3A_155 = arith.muli %sub3A_149, %mul3A_154 : vector<16xi32>
        %add3A_156 = arith.addi %mul3A_152, %mul3A_155 : vector<16xi32>
        %add3A_157 = arith.addi %add3A_156, %get3A_141 : vector<16xi32>
        %mul3A_158 = arith.constant 16 : i32
        %mul3A_159 = arith.muli %add3A_130, %mul3A_158 : i32
        %add3A_160 = arith.addi %mul3A_30, %mul3A_159 : i32
        %iota3A = tpu.iota {dimensions = array<i32: 0>} : vector<16xi32>
        %add3A_161 = vector.broadcast %add3A_160 : i32 to vector<16xi32>
        %add3A_162 = arith.addi %add3A_161, %iota3A : vector<16xi32>
        %lt3A_163 = arith.constant 800000 : i32
        %lt3A_164 = vector.broadcast %lt3A_163 : i32 to vector<16xi32>
        %lt3A_165 = arith.cmpi slt, %add3A_162, %lt3A_164 : vector<16xi32>
        %convert_element_type3A_166 = arith.extui %lt3A_165 : vector<16xi1> to vector<16xi32>
        %convert_element_type3A_167 = arith.sitofp %convert_element_type3A_166 : vector<16xi32> to vector<16xf32>
        %jit3A = arith.constant 8 : i32
        %div3A = arith.divsi %add3A_130, %jit3A : i32
        %sign3A = arith.constant 0 : i32
        %sign3A_168 = arith.cmpi sgt, %add3A_130, %sign3A : i32
        %sign3A_169 = arith.extui %sign3A_168 : i1 to i32
        %sign3A_170 = arith.constant 0 : i32
        %sign3A_171 = arith.cmpi slt, %add3A_130, %sign3A_170 : i32
        %sign3A_172 = arith.extui %sign3A_171 : i1 to i32
        %sign3A_173 = arith.subi %sign3A_169, %sign3A_172 : i32
        %sign3A_174 = arith.constant 0 : i32
        %sign3A_175 = arith.cmpi sgt, %jit3A, %sign3A_174 : i32
        %sign3A_176 = arith.extui %sign3A_175 : i1 to i32
        %sign3A_177 = arith.constant 0 : i32
        %sign3A_178 = arith.cmpi slt, %jit3A, %sign3A_177 : i32
        %sign3A_179 = arith.extui %sign3A_178 : i1 to i32
        %sign3A_180 = arith.subi %sign3A_176, %sign3A_179 : i32
        %ne3A = arith.cmpi ne, %sign3A_173, %sign3A_180 : i32
        %rem3A = arith.remsi %add3A_130, %jit3A : i32
        %ne3A_181 = arith.constant 0 : i32
        %ne3A_182 = arith.cmpi ne, %rem3A, %ne3A_181 : i32
        %and3A = arith.andi %ne3A, %ne3A_182 : i1
        %sub3A_183 = arith.constant 1 : i32
        %sub3A_184 = arith.subi %div3A, %sub3A_183 : i32
        %select_n3A = arith.select %and3A, %sub3A_184, %div3A : i32
        %jit3A_185 = arith.constant 8 : i32
        %eq3A = arith.constant 0 : i32
        %eq3A_186 = arith.cmpi eq, %jit3A_185, %eq3A : i32
        %jit3A_187 = arith.constant 1 : i32
        %select_n3A_188 = arith.select %eq3A_186, %jit3A_187, %jit3A_185 : i32
        %rem3A_189 = arith.remsi %add3A_130, %select_n3A_188 : i32
        %ne3A_190 = arith.constant 0 : i32
        %ne3A_191 = arith.cmpi ne, %rem3A_189, %ne3A_190 : i32
        %lt3A_192 = arith.constant 0 : i32
        %lt3A_193 = arith.cmpi slt, %rem3A_189, %lt3A_192 : i32
        %lt3A_194 = arith.constant 0 : i32
        %lt3A_195 = arith.cmpi slt, %select_n3A_188, %lt3A_194 : i32
        %ne3A_196 = arith.xori %lt3A_193, %lt3A_195 : i1
        %and3A_197 = arith.andi %ne3A_196, %ne3A_191 : i1
        %add3A_198 = arith.addi %rem3A_189, %select_n3A_188 : i32
        %select_n3A_199 = arith.select %and3A_197, %add3A_198, %rem3A_189 : i32
        %mul3A_200 = arith.constant 16 : i32
        %mul3A_201 = arith.muli %select_n3A_199, %mul3A_200 : i32
        %swap3A = arith.index_cast %select_n3A : i32 to index
        %swap3A_202 = arith.index_cast %mul3A_201 : i32 to index
        %swap3A_203 = tpu.vector_load %arg9[%swap3A, %swap3A_202] {strides = array<i32>} : memref<4x128xi32, #tpu.memory_space<vmem>>, vector<16xi32>,
        tpu.vector_store %arg9[%swap3A, %swap3A_202], %add3A_157 {strides = array<i32>} : memref<4x128xi32, #tpu.memory_space<vmem>>, vector<16xi32>,
        %jit3A_204 = arith.constant 8 : i32
        %div3A_205 = arith.divsi %add3A_130, %jit3A_204 : i32
        %sign3A_206 = arith.constant 0 : i32
        %sign3A_207 = arith.cmpi sgt, %add3A_130, %sign3A_206 : i32
        %sign3A_208 = arith.extui %sign3A_207 : i1 to i32
        %sign3A_209 = arith.constant 0 : i32
        %sign3A_210 = arith.cmpi slt, %add3A_130, %sign3A_209 : i32
        %sign3A_211 = arith.extui %sign3A_210 : i1 to i32
        %sign3A_212 = arith.subi %sign3A_208, %sign3A_211 : i32
        %sign3A_213 = arith.constant 0 : i32
        %sign3A_214 = arith.cmpi sgt, %jit3A_204, %sign3A_213 : i32
        %sign3A_215 = arith.extui %sign3A_214 : i1 to i32
        %sign3A_216 = arith.constant 0 : i32
        %sign3A_217 = arith.cmpi slt, %jit3A_204, %sign3A_216 : i32
        %sign3A_218 = arith.extui %sign3A_217 : i1 to i32
        %sign3A_219 = arith.subi %sign3A_215, %sign3A_218 : i32
        %ne3A_220 = arith.cmpi ne, %sign3A_212, %sign3A_219 : i32
        %rem3A_221 = arith.remsi %add3A_130, %jit3A_204 : i32
        %ne3A_222 = arith.constant 0 : i32
        %ne3A_223 = arith.cmpi ne, %rem3A_221, %ne3A_222 : i32
        %and3A_224 = arith.andi %ne3A_220, %ne3A_223 : i1
        %sub3A_225 = arith.constant 1 : i32
        %sub3A_226 = arith.subi %div3A_205, %sub3A_225 : i32
        %select_n3A_227 = arith.select %and3A_224, %sub3A_226, %div3A_205 : i32
        %jit3A_228 = arith.constant 8 : i32
        %eq3A_229 = arith.constant 0 : i32
        %eq3A_230 = arith.cmpi eq, %jit3A_228, %eq3A_229 : i32
        %jit3A_231 = arith.constant 1 : i32
        %select_n3A_232 = arith.select %eq3A_230, %jit3A_231, %jit3A_228 : i32
        %rem3A_233 = arith.remsi %add3A_130, %select_n3A_232 : i32
        %ne3A_234 = arith.constant 0 : i32
        %ne3A_235 = arith.cmpi ne, %rem3A_233, %ne3A_234 : i32
        %lt3A_236 = arith.constant 0 : i32
        %lt3A_237 = arith.cmpi slt, %rem3A_233, %lt3A_236 : i32
        %lt3A_238 = arith.constant 0 : i32
        %lt3A_239 = arith.cmpi slt, %select_n3A_232, %lt3A_238 : i32
        %ne3A_240 = arith.xori %lt3A_237, %lt3A_239 : i1
        %and3A_241 = arith.andi %ne3A_240, %ne3A_235 : i1
        %add3A_242 = arith.addi %rem3A_233, %select_n3A_232 : i32
        %select_n3A_243 = arith.select %and3A_241, %add3A_242, %rem3A_233 : i32
        %mul3A_244 = arith.constant 16 : i32
        %mul3A_245 = arith.muli %select_n3A_243, %mul3A_244 : i32
        %swap3A_246 = arith.index_cast %select_n3A_227 : i32 to index
        %swap3A_247 = arith.index_cast %mul3A_245 : i32 to index
        %swap3A_248 = tpu.vector_load %arg10[%swap3A_246, %swap3A_247] {strides = array<i32>} : memref<4x128xf32, #tpu.memory_space<vmem>>, vector<16xf32>,
        tpu.vector_store %arg10[%swap3A_246, %swap3A_247], %convert_element_type3A_167 {strides = array<i32>} : memref<4x128xf32, #tpu.memory_space<vmem>>, vector<16xf32>,
      }
      %scan3A_45 = arith.constant 32 : i32
      %dma_start3A_46 = arith.constant 0 : i32
      %dma_start3A_47 = arith.constant 0 : i32
      %dma_start3A_48 = arith.constant 0 : i32
      %dma_start3A_49 = tpu.memref_slice %arg10[%dma_start3A_46, %dma_start3A_48] : memref<4x128xf32, #tpu.memory_space<vmem>> -> memref<1x128xf32, #tpu.memory_space<vmem>>
      %dma_start3A_50 = tpu.memref_squeeze %dma_start3A_49 : memref<1x128xf32, #tpu.memory_space<vmem>> -> memref<128xf32, #tpu.memory_space<vmem>>
      %dma_start3A_51 = arith.constant 0 : i32
      %dma_start3A_52 = tpu.memref_slice %arg9[%dma_start3A_47, %dma_start3A_51] : memref<4x128xi32, #tpu.memory_space<vmem>> -> memref<1x128xi32, #tpu.memory_space<vmem>>
      %dma_start3A_53 = tpu.memref_squeeze %dma_start3A_52 : memref<1x128xi32, #tpu.memory_space<vmem>> -> memref<128xi32, #tpu.memory_space<vmem>>
      %dma_start3A_54 = arith.constant 0 : i32
      %dma_start3A_55 = tpu.memref_slice %arg12[%dma_start3A_54] : memref<1600000xf32, #tpu.memory_space<vmem_shared>> -> memref<1600000xf32, #tpu.memory_space<vmem_shared>>
      tpu.enqueue_indirect_dma source(%dma_start3A_50 : memref<128xf32, #tpu.memory_space<vmem>>) target(%dma_start3A_55 : memref<1600000xf32, #tpu.memory_space<vmem_shared>>) offsets(%dma_start3A_53 : memref<128xi32, #tpu.memory_space<vmem>>) semaphore(%arg14 : memref<!tpu.dma_semaphore, #tpu.memory_space<semaphore_mem>>) {add = true}
      %dma_start3A_56 = arith.constant 1 : i32
      %dma_start3A_57 = arith.constant 1 : i32
      %dma_start3A_58 = arith.constant 0 : i32
      %dma_start3A_59 = tpu.memref_slice %arg10[%dma_start3A_56, %dma_start3A_58] : memref<4x128xf32, #tpu.memory_space<vmem>> -> memref<1x128xf32, #tpu.memory_space<vmem>>
      %dma_start3A_60 = tpu.memref_squeeze %dma_start3A_59 : memref<1x128xf32, #tpu.memory_space<vmem>> -> memref<128xf32, #tpu.memory_space<vmem>>
      %dma_start3A_61 = arith.constant 0 : i32
      %dma_start3A_62 = tpu.memref_slice %arg9[%dma_start3A_57, %dma_start3A_61] : memref<4x128xi32, #tpu.memory_space<vmem>> -> memref<1x128xi32, #tpu.memory_space<vmem>>
      %dma_start3A_63 = tpu.memref_squeeze %dma_start3A_62 : memref<1x128xi32, #tpu.memory_space<vmem>> -> memref<128xi32, #tpu.memory_space<vmem>>
      %dma_start3A_64 = arith.constant 0 : i32
      %dma_start3A_65 = tpu.memref_slice %arg12[%dma_start3A_64] : memref<1600000xf32, #tpu.memory_space<vmem_shared>> -> memref<1600000xf32, #tpu.memory_space<vmem_shared>>
      tpu.enqueue_indirect_dma source(%dma_start3A_60 : memref<128xf32, #tpu.memory_space<vmem>>) target(%dma_start3A_65 : memref<1600000xf32, #tpu.memory_space<vmem_shared>>) offsets(%dma_start3A_63 : memref<128xi32, #tpu.memory_space<vmem>>) semaphore(%arg14 : memref<!tpu.dma_semaphore, #tpu.memory_space<semaphore_mem>>) {add = true}
      %dma_start3A_66 = arith.constant 2 : i32
      %dma_start3A_67 = arith.constant 2 : i32
      %dma_start3A_68 = arith.constant 0 : i32
      %dma_start3A_69 = tpu.memref_slice %arg10[%dma_start3A_66, %dma_start3A_68] : memref<4x128xf32, #tpu.memory_space<vmem>> -> memref<1x128xf32, #tpu.memory_space<vmem>>
      %dma_start3A_70 = tpu.memref_squeeze %dma_start3A_69 : memref<1x128xf32, #tpu.memory_space<vmem>> -> memref<128xf32, #tpu.memory_space<vmem>>
      %dma_start3A_71 = arith.constant 0 : i32
      %dma_start3A_72 = tpu.memref_slice %arg9[%dma_start3A_67, %dma_start3A_71] : memref<4x128xi32, #tpu.memory_space<vmem>> -> memref<1x128xi32, #tpu.memory_space<vmem>>
      %dma_start3A_73 = tpu.memref_squeeze %dma_start3A_72 : memref<1x128xi32, #tpu.memory_space<vmem>> -> memref<128xi32, #tpu.memory_space<vmem>>
      %dma_start3A_74 = arith.constant 0 : i32
      %dma_start3A_75 = tpu.memref_slice %arg12[%dma_start3A_74] : memref<1600000xf32, #tpu.memory_space<vmem_shared>> -> memref<1600000xf32, #tpu.memory_space<vmem_shared>>
      tpu.enqueue_indirect_dma source(%dma_start3A_70 : memref<128xf32, #tpu.memory_space<vmem>>) target(%dma_start3A_75 : memref<1600000xf32, #tpu.memory_space<vmem_shared>>) offsets(%dma_start3A_73 : memref<128xi32, #tpu.memory_space<vmem>>) semaphore(%arg14 : memref<!tpu.dma_semaphore, #tpu.memory_space<semaphore_mem>>) {add = true}
      %dma_start3A_76 = arith.constant 3 : i32
      %dma_start3A_77 = arith.constant 3 : i32
      %dma_start3A_78 = arith.constant 0 : i32
      %dma_start3A_79 = tpu.memref_slice %arg10[%dma_start3A_76, %dma_start3A_78] : memref<4x128xf32, #tpu.memory_space<vmem>> -> memref<1x128xf32, #tpu.memory_space<vmem>>
      %dma_start3A_80 = tpu.memref_squeeze %dma_start3A_79 : memref<1x128xf32, #tpu.memory_space<vmem>> -> memref<128xf32, #tpu.memory_space<vmem>>
      %dma_start3A_81 = arith.constant 0 : i32
      %dma_start3A_82 = tpu.memref_slice %arg9[%dma_start3A_77, %dma_start3A_81] : memref<4x128xi32, #tpu.memory_space<vmem>> -> memref<1x128xi32, #tpu.memory_space<vmem>>
      %dma_start3A_83 = tpu.memref_squeeze %dma_start3A_82 : memref<1x128xi32, #tpu.memory_space<vmem>> -> memref<128xi32, #tpu.memory_space<vmem>>
      %dma_start3A_84 = arith.constant 0 : i32
      %dma_start3A_85 = tpu.memref_slice %arg12[%dma_start3A_84] : memref<1600000xf32, #tpu.memory_space<vmem_shared>> -> memref<1600000xf32, #tpu.memory_space<vmem_shared>>
      tpu.enqueue_indirect_dma source(%dma_start3A_80 : memref<128xf32, #tpu.memory_space<vmem>>) target(%dma_start3A_85 : memref<1600000xf32, #tpu.memory_space<vmem_shared>>) offsets(%dma_start3A_83 : memref<128xi32, #tpu.memory_space<vmem>>) semaphore(%arg14 : memref<!tpu.dma_semaphore, #tpu.memory_space<semaphore_mem>>) {add = true}
      %dma_wait3A_86 = arith.constant 0 : i32
      %dma_wait3A_87 = arith.constant 0 : i32
      %dma_wait3A_88 = arith.constant 0 : i32
      %dma_wait3A_89 = tpu.memref_slice %arg10[%dma_wait3A_86, %dma_wait3A_88] : memref<4x128xf32, #tpu.memory_space<vmem>> -> memref<1x128xf32, #tpu.memory_space<vmem>>
      %dma_wait3A_90 = tpu.memref_squeeze %dma_wait3A_89 : memref<1x128xf32, #tpu.memory_space<vmem>> -> memref<128xf32, #tpu.memory_space<vmem>>
      %dma_wait3A_91 = arith.constant 0 : i32
      %dma_wait3A_92 = tpu.memref_slice %arg9[%dma_wait3A_87, %dma_wait3A_91] : memref<4x128xi32, #tpu.memory_space<vmem>> -> memref<1x128xi32, #tpu.memory_space<vmem>>
      %dma_wait3A_93 = tpu.memref_squeeze %dma_wait3A_92 : memref<1x128xi32, #tpu.memory_space<vmem>> -> memref<128xi32, #tpu.memory_space<vmem>>
      %dma_wait3A_94 = arith.constant 0 : i32
      %dma_wait3A_95 = tpu.memref_slice %arg12[%dma_wait3A_94] : memref<1600000xf32, #tpu.memory_space<vmem_shared>> -> memref<1600000xf32, #tpu.memory_space<vmem_shared>>
      tpu.wait_indirect_dma semaphore(%arg14 : memref<!tpu.dma_semaphore, #tpu.memory_space<semaphore_mem>>) src(%dma_wait3A_90 : memref<128xf32, #tpu.memory_space<vmem>>) dst(%dma_wait3A_95 : memref<1600000xf32, #tpu.memory_space<vmem_shared>>)
      %dma_wait3A_96 = arith.constant 1 : i32
      %dma_wait3A_97 = arith.constant 1 : i32
      %dma_wait3A_98 = arith.constant 0 : i32
      %dma_wait3A_99 = tpu.memref_slice %arg10[%dma_wait3A_96, %dma_wait3A_98] : memref<4x128xf32, #tpu.memory_space<vmem>> -> memref<1x128xf32, #tpu.memory_space<vmem>>
      %dma_wait3A_100 = tpu.memref_squeeze %dma_wait3A_99 : memref<1x128xf32, #tpu.memory_space<vmem>> -> memref<128xf32, #tpu.memory_space<vmem>>
      %dma_wait3A_101 = arith.constant 0 : i32
      %dma_wait3A_102 = tpu.memref_slice %arg9[%dma_wait3A_97, %dma_wait3A_101] : memref<4x128xi32, #tpu.memory_space<vmem>> -> memref<1x128xi32, #tpu.memory_space<vmem>>
      %dma_wait3A_103 = tpu.memref_squeeze %dma_wait3A_102 : memref<1x128xi32, #tpu.memory_space<vmem>> -> memref<128xi32, #tpu.memory_space<vmem>>
      %dma_wait3A_104 = arith.constant 0 : i32
      %dma_wait3A_105 = tpu.memref_slice %arg12[%dma_wait3A_104] : memref<1600000xf32, #tpu.memory_space<vmem_shared>> -> memref<1600000xf32, #tpu.memory_space<vmem_shared>>
      tpu.wait_indirect_dma semaphore(%arg14 : memref<!tpu.dma_semaphore, #tpu.memory_space<semaphore_mem>>) src(%dma_wait3A_100 : memref<128xf32, #tpu.memory_space<vmem>>) dst(%dma_wait3A_105 : memref<1600000xf32, #tpu.memory_space<vmem_shared>>)
      %dma_wait3A_106 = arith.constant 2 : i32
      %dma_wait3A_107 = arith.constant 2 : i32
      %dma_wait3A_108 = arith.constant 0 : i32
      %dma_wait3A_109 = tpu.memref_slice %arg10[%dma_wait3A_106, %dma_wait3A_108] : memref<4x128xf32, #tpu.memory_space<vmem>> -> memref<1x128xf32, #tpu.memory_space<vmem>>
      %dma_wait3A_110 = tpu.memref_squeeze %dma_wait3A_109 : memref<1x128xf32, #tpu.memory_space<vmem>> -> memref<128xf32, #tpu.memory_space<vmem>>
      %dma_wait3A_111 = arith.constant 0 : i32
      %dma_wait3A_112 = tpu.memref_slice %arg9[%dma_wait3A_107, %dma_wait3A_111] : memref<4x128xi32, #tpu.memory_space<vmem>> -> memref<1x128xi32, #tpu.memory_space<vmem>>
      %dma_wait3A_113 = tpu.memref_squeeze %dma_wait3A_112 : memref<1x128xi32, #tpu.memory_space<vmem>> -> memref<128xi32, #tpu.memory_space<vmem>>
      %dma_wait3A_114 = arith.constant 0 : i32
      %dma_wait3A_115 = tpu.memref_slice %arg12[%dma_wait3A_114] : memref<1600000xf32, #tpu.memory_space<vmem_shared>> -> memref<1600000xf32, #tpu.memory_space<vmem_shared>>
      tpu.wait_indirect_dma semaphore(%arg14 : memref<!tpu.dma_semaphore, #tpu.memory_space<semaphore_mem>>) src(%dma_wait3A_110 : memref<128xf32, #tpu.memory_space<vmem>>) dst(%dma_wait3A_115 : memref<1600000xf32, #tpu.memory_space<vmem_shared>>)
      %dma_wait3A_116 = arith.constant 3 : i32
      %dma_wait3A_117 = arith.constant 3 : i32
      %dma_wait3A_118 = arith.constant 0 : i32
      %dma_wait3A_119 = tpu.memref_slice %arg10[%dma_wait3A_116, %dma_wait3A_118] : memref<4x128xf32, #tpu.memory_space<vmem>> -> memref<1x128xf32, #tpu.memory_space<vmem>>
      %dma_wait3A_120 = tpu.memref_squeeze %dma_wait3A_119 : memref<1x128xf32, #tpu.memory_space<vmem>> -> memref<128xf32, #tpu.memory_space<vmem>>
      %dma_wait3A_121 = arith.constant 0 : i32
      %dma_wait3A_122 = tpu.memref_slice %arg9[%dma_wait3A_117, %dma_wait3A_121] : memref<4x128xi32, #tpu.memory_space<vmem>> -> memref<1x128xi32, #tpu.memory_space<vmem>>
      %dma_wait3A_123 = tpu.memref_squeeze %dma_wait3A_122 : memref<1x128xi32, #tpu.memory_space<vmem>> -> memref<128xi32, #tpu.memory_space<vmem>>
      %dma_wait3A_124 = arith.constant 0 : i32
      %dma_wait3A_125 = tpu.memref_slice %arg12[%dma_wait3A_124] : memref<1600000xf32, #tpu.memory_space<vmem_shared>> -> memref<1600000xf32, #tpu.memory_space<vmem_shared>>
      tpu.wait_indirect_dma semaphore(%arg14 : memref<!tpu.dma_semaphore, #tpu.memory_space<semaphore_mem>>) src(%dma_wait3A_120 : memref<128xf32, #tpu.memory_space<vmem>>) dst(%dma_wait3A_125 : memref<1600000xf32, #tpu.memory_space<vmem_shared>>)
    }
    %scan3A_14 = arith.constant 49 : i32
    %barrier3A_15 = arith.constant 0 : index
    tpu.barrier barrier_id(%barrier3A_15)
    %scan3A_16 = arith.constant 0 : i32
    %scan3A_17 = arith.constant 16 : i32
    %scan3A_18 = arith.addi %scan3A_16, %scan3A_17 : i32
    %scan3A_19 = arith.constant 1 : i32
    scf.for %scan3A_21 = %scan3A_16 to %scan3A_18 step %scan3A_19  : i32 {
      %mul3A_22 = arith.constant 1 : i32
      %mul3A_23 = arith.muli %scan3A_21, %mul3A_22 : i32
      %add3A_24 = arith.constant 0 : i32
      %add3A_25 = arith.addi %add3A_24, %mul3A_23 : i32
      %mul3A_26 = arith.constant 16 : i32
      %mul3A_27 = arith.muli %add3A_25, %mul3A_26 : i32
      %add3A_28 = arith.addi %arg1, %mul3A_27 : i32
      %lt3A = arith.constant 250 : i32
      %lt3A_29 = arith.cmpi slt, %add3A_28, %lt3A : i32
      %convert_element_type3A = arith.extui %lt3A_29 : i1 to i32
      %cond3A = arith.constant 0 : i32
      %cond3A_30 = arith.cmpi ne, %convert_element_type3A, %cond3A : i32
      scf.if %cond3A_30 {
        %mul3A_31 = arith.constant 6400 : i32
        %mul3A_32 = arith.muli %add3A_28, %mul3A_31 : i32
        "tpu.region"() ({
          %run_scoped3A = tpu.sem_alloc : memref<!tpu.dma_semaphore, #tpu.memory_space<semaphore_mem>>
          %dma_start3A = tpu.memref_slice %arg12[%mul3A_32] : memref<1600000xf32, #tpu.memory_space<vmem_shared>> -> memref<6400xf32, #tpu.memory_space<vmem_shared>>
          %dma_start3A_35 = tpu.memref_slice %arg12[%mul3A_32] : memref<1600000xf32, #tpu.memory_space<vmem_shared>> -> memref<6400xf32, #tpu.memory_space<vmem_shared>>
          tpu.enqueue_dma source(%dma_start3A_35 : memref<6400xf32, #tpu.memory_space<vmem_shared>>) target(%arg11 : memref<6400xf32, #tpu.memory_space<vmem>>) target_semaphore(%run_scoped3A : memref<!tpu.dma_semaphore, #tpu.memory_space<semaphore_mem>>)
          %dma_wait3A = tpu.memref_slice %arg12[%mul3A_32] : memref<1600000xf32, #tpu.memory_space<vmem_shared>> -> memref<6400xf32, #tpu.memory_space<vmem_shared>>
          %dma_wait3A_36 = tpu.memref_slice %arg12[%mul3A_32] : memref<1600000xf32, #tpu.memory_space<vmem_shared>> -> memref<6400xf32, #tpu.memory_space<vmem_shared>>
          tpu.wait_dma2 semaphore(%run_scoped3A : memref<!tpu.dma_semaphore, #tpu.memory_space<semaphore_mem>>) src(%dma_wait3A_36 : memref<6400xf32, #tpu.memory_space<vmem_shared>>) dst(%arg11 : memref<6400xf32, #tpu.memory_space<vmem>>)
          tpu.yield
        }) : () -> ()
        %mul3A_33 = arith.constant 6400 : i32
        %mul3A_34 = arith.muli %add3A_28, %mul3A_33 : i32
        "tpu.region"() ({
          %run_scoped3A = tpu.sem_alloc : memref<!tpu.dma_semaphore, #tpu.memory_space<semaphore_mem>>
          %dma_start3A = arith.constant 0 : i32
          %dma_start3A_35 = tpu.memref_slice %arg5[%arg0, %dma_start3A] : memref<2x1600000xf32, #tpu.memory_space<hbm>> -> memref<1x1600000xf32, #tpu.memory_space<hbm>>
          %dma_start3A_36 = tpu.memref_squeeze %dma_start3A_35 : memref<1x1600000xf32, #tpu.memory_space<hbm>> -> memref<1600000xf32, #tpu.memory_space<hbm>>
          %dma_start3A_37 = tpu.memref_slice %dma_start3A_36[%mul3A_34] : memref<1600000xf32, #tpu.memory_space<hbm>> -> memref<6400xf32, #tpu.memory_space<hbm>>
          %dma_start3A_38 = arith.constant 0 : i32
          %dma_start3A_39 = tpu.memref_slice %arg5[%arg0, %dma_start3A_38] : memref<2x1600000xf32, #tpu.memory_space<hbm>> -> memref<1x1600000xf32, #tpu.memory_space<hbm>>
          %dma_start3A_40 = tpu.memref_squeeze %dma_start3A_39 : memref<1x1600000xf32, #tpu.memory_space<hbm>> -> memref<1600000xf32, #tpu.memory_space<hbm>>
          %dma_start3A_41 = tpu.memref_slice %dma_start3A_40[%mul3A_34] : memref<1600000xf32, #tpu.memory_space<hbm>> -> memref<6400xf32, #tpu.memory_space<hbm>>
          tpu.enqueue_dma source(%arg11 : memref<6400xf32, #tpu.memory_space<vmem>>) target(%dma_start3A_41 : memref<6400xf32, #tpu.memory_space<hbm>>) target_semaphore(%run_scoped3A : memref<!tpu.dma_semaphore, #tpu.memory_space<semaphore_mem>>)
          %dma_wait3A = arith.constant 0 : i32
          %dma_wait3A_42 = tpu.memref_slice %arg5[%arg0, %dma_wait3A] : memref<2x1600000xf32, #tpu.memory_space<hbm>> -> memref<1x1600000xf32, #tpu.memory_space<hbm>>
          %dma_wait3A_43 = tpu.memref_squeeze %dma_wait3A_42 : memref<1x1600000xf32, #tpu.memory_space<hbm>> -> memref<1600000xf32, #tpu.memory_space<hbm>>
          %dma_wait3A_44 = tpu.memref_slice %dma_wait3A_43[%mul3A_34] : memref<1600000xf32, #tpu.memory_space<hbm>> -> memref<6400xf32, #tpu.memory_space<hbm>>
          %dma_wait3A_45 = arith.constant 0 : i32
          %dma_wait3A_46 = tpu.memref_slice %arg5[%arg0, %dma_wait3A_45] : memref<2x1600000xf32, #tpu.memory_space<hbm>> -> memref<1x1600000xf32, #tpu.memory_space<hbm>>
          %dma_wait3A_47 = tpu.memref_squeeze %dma_wait3A_46 : memref<1x1600000xf32, #tpu.memory_space<hbm>> -> memref<1600000xf32, #tpu.memory_space<hbm>>
          %dma_wait3A_48 = tpu.memref_slice %dma_wait3A_47[%mul3A_34] : memref<1600000xf32, #tpu.memory_space<hbm>> -> memref<6400xf32, #tpu.memory_space<hbm>>
          tpu.wait_dma2 semaphore(%run_scoped3A : memref<!tpu.dma_semaphore, #tpu.memory_space<semaphore_mem>>) src(%arg11 : memref<6400xf32, #tpu.memory_space<vmem>>) dst(%dma_wait3A_48 : memref<6400xf32, #tpu.memory_space<hbm>>)
          tpu.yield
        }) : () -> ()
      } else {
      }
    }
    %scan3A_20 = arith.constant 16 : i32
    return
  }
}

</mosaic_0001>

<sc_bundles>
// kernel: _hist_call.3.cloned.1.call-start
scs
__scs_entry_jumppad:
0x0: {  	(pc) =	sbr.rel $0x88, $3  }
0x1: {  	(tag) =	ssettag $0x0;
	lr =	simm.s32 $0x1  }
0x2: {  	[smem:$0x3F9E] =	sst lr;
	_ =	strace $0xD0000000  }
0x3: {  	_ = 	snop  }
0x4: {  	_ = 	snop  }
0x5: {  	_ = 	snop  }
0x6: {  	_ = 	snop  }
0x7: {  	_ = 	snop  }
__scs_overlays_trampoline_lowered:
0x8: {  	[smem:$0x3FAD] =	sst s0  }
0x9: {  	[smem:$0x3FAE] =	sst s1  }
0xa: {  	[smem:$0x3FAF] =	sst s2  }
0xb: {  	[smem:$0x3FB0] =	sst s3  }
0xc: {  	[smem:$0x3FB1] =	sst s4  }
0xd: {  	[smem:$0x3FB2] =	sst s5  }
0xe: {  	[smem:$0x3FB3] =	sst s6  }
0xf: {  	[smem:$0x3FB4] =	sst s7  }
0x10: {  	[smem:$0x3FB5] =	sst s8  }
0x11: {  	[smem:$0x3FB6] =	sst s9;
	s0 =	simm.s32 @!p0 $0x0  }
0x12: {  	s1 =	sld [smem:$0x3F9C];
	s0 =	simm.s32 @p0 $0x1  }
0x13: {  	[smem:$0x3FB7] =	sst s0;
	s0 =	simm.s32 @!p1 $0x0  }
0x14: {  	s2 =	sld [smem:$0x3F9B];
	s0 =	simm.s32 @p1 $0x1  }
0x15: {  	[smem:$0x3FB8] =	sst s0;
	s0 =	simm.s32 @!p2 $0x0  }
0x16: {  	s3 =	sld [smem:$0x3FDB];
	s0 =	simm.s32 @p2 $0x1  }
0x17: {  	s4 =	simm.s32 $0x1BF5;
	[smem:$0x3FBA] =	sst s0  }
0x18: {  	s0 =	sld [smem:$0x3F9D];
	_ =	swait.ge [sflag:s4], $0x0  }
0x19: {  	s7 =	sld [smem:$0x3F9E]  }
0x1a: {  	s8 =	sadd.s32 $0xFFFFE003, lr  }
0x1b: {  	s9 =	sadd.s32 $0xFFFFFEF7, lr;
	s5 =	simm.s32 $0xFFFFFFFF;
	p2 =	slt.u32 s8, $0xFFFFF086  }
0x1c: {  	p1 =	slt.u32 s9, $0xF7A;
	s5 =	simm.s32 @!p2 $0x0  }
0x1d: {  	s5 =	simm.s32 @p1 $0x1;
	p0 =	seq.s32 s7, s2  }
0x1e: {  	s7 =	smul.u32 @!p0 $0xF7A, s2;
	p2 =	seq.s32 @!p0 s5, $0x0  }
0x1f: {  	s9 =	smul.u32 $0xF7A, s1;
	s8 =	simm.s32 @!p0 $0x1BF5;
	p2 =	por !p2, p0  }
0x20: {  	[sflag:s8] =	ssyncset.s32 @!p0 $0xFFFFF086;
	s6 =	sadd.s32 @!p0 s3, s7;
	s7 =	simm.s32 @!p0 $0x108  }
0x21: {  	s3 =	sadd.s32 s3, s9;
	s6 =	sadd.s32 @!p0 $0x88, s6;
	s7 =	simm.s32 @p2 $0x1082  }
0x22: {  	[simem:s7], [sflag:s8] =	dma.local @!p0 [hbm:s6], $0xF7A  }
0x23: {  	s9 =	sor.u32 $0xD0000000, s2;
	s6 =	simm.s32 $0x108;
	_ =	swait.ge @!p0 [sflag:s8], $0x0  }
0x24: {  	s3 =	sadd.s32 $0x88, s3;
	s6 =	simm.s32 @!p1 $0x1082;
	[sflag:s4] =	ssyncset.s32 $0xFFFFF086  }
0x25: {  	[simem:s6], [sflag:s4] =	dma.local [hbm:s3], $0xF7A  }
0x26: {  	[smem:$0x3F9E] =	sst s1;
	(tag) =	ssettag s2;
	_ =	strace s9  }
0x27: {  	s1 =	sld [smem:$0x3FAE]  }
0x28: {  	s2 =	sld [smem:$0x3FAF]  }
0x29: {  	s4 =	sld [smem:$0x3FB1]  }
0x2a: {  	p0 =	seq.s32 s5, $0x0;
	s5 =	sld [smem:$0x3FB2]  }
0x2b: {  	s6 =	sld [smem:$0x3FB3]  }
0x2c: {  	s7 =	sld [smem:$0x3FB4]  }
0x2d: {  	s3 =	simm.s32 $0x108;
	s8 =	sld [smem:$0x3FB5]  }
0x2e: {  	s3 =	simm.s32 @!p0 $0x1082;
	s9 =	sld [smem:$0x3FB6]  }
0x2f: {  	lr =	sadd.s32 s0, s3;
	s0 =	sld [smem:$0x3FAD]  }
0x30: {  	s3 =	sld [smem:$0x3FB0]  }
0x31: {  	[smem:$0x3FB9] =	sst s10  }
0x32: {  	s10 =	sld [smem:$0x3FB7];
	_ =	sdelay $0x3  }
0x33: {  	p0 =	seq.s32 s10, $0x1;
	s10 =	sld [smem:$0x3FB9];
	_ =	sdelay $0x3  }
0x34: {  	[smem:$0x3FB9] =	sst s10  }
0x35: {  	s10 =	sld [smem:$0x3FB8];
	_ =	sdelay $0x3  }
0x36: {  	p1 =	seq.s32 s10, $0x1;
	s10 =	sld [smem:$0x3FB9];
	_ =	sdelay $0x3  }
0x37: {  	[smem:$0x3FB9] =	sst s10  }
0x38: {  	s10 =	sld [smem:$0x3FBA]  }
0x39: {  	_ = 	snop;
	(pc) =	sbr.ind lr, $3  }
0x3a: {  	_ = 	snop  }
0x3b: {  	_ = 	snop  }
0x3c: {  	p2 =	seq.s32 s10, $0x1;
	s10 =	sld [smem:$0x3FB9]  }
0x3d: {  	_ =	shalt  }
0x3e: {  	_ =	shalt  }
0x3f: {  	_ =	shalt  }
0x40: {  	_ =	shalt  }
0x41: {  	_ =	shalt  }
0x42: {  	_ =	shalt  }
0x43: {  	_ =	shalt  }
0x44: {  	_ =	shalt  }
0x45: {  	_ =	shalt  }
0x46: {  	_ =	shalt  }
0x47: {  	_ =	shalt  }
0x48: {  	_ =	shalt  }
0x49: {  	_ =	shalt  }
0x4a: {  	_ =	shalt  }
0x4b: {  	_ =	shalt  }
0x4c: {  	_ =	shalt  }
0x4d: {  	_ =	shalt  }
0x4e: {  	_ =	shalt  }
0x4f: {  	_ =	shalt  }
0x50: {  	_ =	shalt  }
0x51: {  	_ =	shalt  }
0x52: {  	_ =	shalt  }
0x53: {  	_ =	shalt  }
0x54: {  	_ =	shalt  }
0x55: {  	_ =	shalt  }
0x56: {  	_ =	shalt  }
0x57: {  	_ =	shalt  }
0x58: {  	_ =	shalt  }
0x59: {  	_ =	shalt  }
0x5a: {  	_ =	shalt  }
0x5b: {  	_ =	shalt  }
0x5c: {  	_ =	shalt  }
0x5d: {  	_ =	shalt  }
0x5e: {  	_ =	shalt  }
0x5f: {  	_ =	shalt  }
0x60: {  	_ =	shalt  }
0x61: {  	_ =	shalt  }
0x62: {  	_ =	shalt  }
0x63: {  	_ =	shalt  }
0x64: {  	_ =	shalt  }
0x65: {  	_ =	shalt  }
0x66: {  	_ =	shalt  }
0x67: {  	_ =	shalt  }
0x68: {  	_ =	shalt  }
0x69: {  	_ =	shalt  }
0x6a: {  	_ =	shalt  }
0x6b: {  	_ =	shalt  }
0x6c: {  	_ =	shalt  }
0x6d: {  	_ =	shalt  }
0x6e: {  	_ =	shalt  }
0x6f: {  	_ =	shalt  }
0x70: {  	_ =	shalt  }
0x71: {  	_ =	shalt  }
0x72: {  	_ =	shalt  }
0x73: {  	_ =	shalt  }
0x74: {  	_ =	shalt  }
0x75: {  	_ =	shalt  }
0x76: {  	_ =	shalt  }
0x77: {  	_ =	shalt  }
0x78: {  	_ =	shalt  }
0x79: {  	_ =	shalt  }
0x7a: {  	_ =	shalt  }
0x7b: {  	_ =	shalt  }
0x7c: {  	_ =	shalt  }
0x7d: {  	_ =	shalt  }
0x7e: {  	_ =	shalt  }
0x7f: {  	_ =	shalt  }
0x80: {  	_ =	shalt  }
0x81: {  	_ =	shalt  }
0x82: {  	_ =	shalt  }
0x83: {  	_ =	shalt  }
0x84: {  	_ =	shalt  }
0x85: {  	_ =	shalt  }
0x86: {  	_ =	shalt  }
0x87: {  	_ =	shalt  }
.Lfunc_end0:
.L_simem_size_0:
called_computation_lowered:
.L_overlay_start_0:
0x88: {  	s2 =	sld [smem:$0x3FD9]  }
0x89: {  	s3 =	sld [smem:$0x3FFE];
	_ =	sdelay $0x1  }
0x8a: {  	s1 =	srdreg.scid  }
0x8b: {  	s0 =	sand.u32 $0x1, s1  }
0x8c: {  	s17 =	sshll.u32 s0, $0xA;
	s2 =	sadd.s32 s3, s2  }
0x8d: {  	s2 =	sadd.s32 s2, s17  }
0x8e: {  	[smem:$0x3FC5] =	sst s2  }
0x8f: {  	_ = 	snop  }
0x90: {  	s2 =	sld [smem:$0x3FC9]  }
0x91: {  	s18 =	sld [smem:$0x3FC8]  }
0x92: {  	s4 =	sld [smem:$0x3FC7];
	(tm) =	ssettm $0x1  }
0x93: {  	s5 =	sld [smem:$0x3FFB];
	_ =	sdelay $0x3  }
0x94: {  	_ =	strace s5  }
0x95: {  	s5 =	sld [smem:$0x3FFC];
	_ =	sdelay $0x3  }
0x96: {  	_ =	strace s5  }
0x97: {  	s5 =	sld [smem:$0x3FFD];
	_ =	sdelay $0x3  }
0x98: {  	_ =	strace s5  }
0x99: {  	_ =	strace $0x8FFFFFFF  }
0x9a: {  	s19 =	sld [smem:$0x3FDB];
	_ =	sdelay $0x1  }
0x9b: {  	s6 =	simm.s32 $_scs_section_size  }
0x9c: {  	s7 =	simm.s32 $_size__tile_overlayer_lowered;
	s8 =	simm.s32 $_tile_overlayer_lowered  }
0x9d: {  	s22 =	simm.s32 $0x1BFF;
	s21 =	sshll.u32 s8, $0x1;
	s5 =	sadd.s32 s6, s19  }
0x9e: {  	s9 =	simm.s32 $0x0;
	s20 =	sshll.u32 s7, $0x1;
	s7 =	sadd.s32 s21, s5  }
0x9f: {  	[timem:s9], [sflag:s22] =	dma.local [hbm:s7], s20  }
0xa0: {  	_ =	swait.ge [sflag:s22], s20  }
0xa1: {  	s6 =	ssub.s32 $0x0, s20;
	[sflag:s22] =	ssyncset.done $0x0  }
0xa2: {  	[sflag:s22] =	ssyncadd.s32 s6;
	_ =	sdelay $0x1  }
0xa3: {  	s23 =	simm.s32 $0x1B8B  }
0xa4: {  	_ =	swait.ge [sflag:s23], $0x1  }
0xa5: {  	[sflag:s23] =	ssyncset.done $0x0  }
0xa6: {  	s25 =	simm.s32 $0x1B8E;
	s24 =	sld [smem:$0x3FFE];
	[sflag:s23] =	ssyncadd.s32 $0xFFFFFFFF  }
0xa7: {  	s26 =	simm.s32 $execute0_lowered;
	[smem:$0x3FD2] =	sst s25  }
0xa8: {  	s7 =	sshll.u32 s26, $0x1;
	_ =	strace $0x80000046;
	[dreg:$0x1] =	wrdreg $0xFFFFFFFF  }
0xa9: {  	s28 =	simm.s32 $_size_execute0_lowered;
	s5 =	sadd.s32 s5, s7;
	[dreg:$0x0] =	wrdreg $0x0  }
0xaa: {  	s7 =	sshll.u32 s28, $0x1;
	[dreg:$0x2] =	wrdreg s5  }
0xab: {  	[dreg:$0x3] =	wrdreg s7  }
0xac: {  	[dreg:$0x4] =	wrdreg $0xC0  }
0xad: {  	_ =	task [dreg:s9], $0x5FFFF  }
0xae: {  	[dreg:$0x1] =	wrdreg $0xFFFFFFFF  }
0xaf: {  	[dreg:$0x0] =	wrdreg $0x60  }
0xb0: {  	[dreg:$0x2] =	wrdreg s2  }
0xb1: {  	[dreg:$0x3] =	wrdreg s18  }
0xb2: {  	[dreg:$0x4] =	wrdreg s4  }
0xb3: {  	[dreg:$0x5] =	wrdreg s24  }
0xb4: {  	[dreg:$0x6] =	wrdreg $0x23000  }
0xb5: {  	[dreg:$0x7] =	wrdreg $0x9  }
0xb6: {  	_ =	task.clear_ibuf [dreg:s9], $0x8FFFF;
	_ =	strace $0x90000046  }
0xb7: {  	s29 =	simm.s32 $0x9;
	_ =	strace $0x80000048  }
0xb8: {  	_ =	swait.ge [sflag:s29], $0x1  }
0xb9: {  	[sflag:s29] =	ssyncadd.s32 $0xFFFFFFFF  }
0xba: {  	_ =	strace $0x90000048  }
0xbb: {  	_ =	sfence  }
0xbc: {  	s30 =	sld [smem:$0x0];
	_ =	sdelay $0x2  }
0xbd: {  	s31 =	sshll.u32 s1, $0xD;
	s1 =	sshrl.u32 s1, $0x2  }
0xbe: {  	s3 =	sand.u32 $0x4000, s31;
	s1 =	sadd.s32 s1, s30  }
0xbf: {  	s0 =	sor.u32 s3, s0;
	s1 =	sshll.u32 s1, $0x11  }
0xc0: {  	s0 =	sor.u32 s1, s0  }
0xc1: {  	s0 =	sadd.s32 $0x8F2B, s0  }
0xc2: {  	[sflag:s0] =	ssyncadd.remote.s32 $0x1  }
0xc3: {  	_ =	sfence.sel $0xFFFF  }
0xc4: {  	[dreg:$0x0] =	wrdreg $0xFFFFFFFF;
	(pc) =	sbr.abs _section_cstart, $3  }
0xc5: {  	[dreg:$0x1] =	wrdreg $0xFFFFFFFF  }
0xc6: {  	_ =	task.clear_ibuf [dreg:s9], $0x2FFFF;
	_ =	strace $0x9FFFFFFF  }
0xc7: {  	(tm) =	ssettm $0x7FFFFFFF  }
tec
execute0_lowered:
.L_overlay_start_1:
0x0: {  	(tag) =	ssettag $0x1  }
0x1: {  	s0 =	rddreg [dreg:$0x0]  }
0x2: {  	s2 =	rddreg [dreg:$0x1]  }
0x3: {  	s4 =	rddreg [dreg:$0x2]  }
0x4: {  	s1 =	rddreg [dreg:$0x3]  }
0x5: {  	s5 =	rddreg [dreg:$0x4]  }
0x6: {  	s6 =	srdreg.scid;
	s3 =	stileid.u32  }
0x7: {  	s13 =	simm.s32 $0x200;
	s14 =	simm.s32 $0x400;
	s15 =	simm.s32 $0x1  }
0x8: {  	s16 =	simm.s32 $0x80;
	s17 =	simm.s32 $0x600;
	s18 =	simm.s32 $0x800  }
0x9: {  	s19 =	simm.s32 $0x680;
	s20 =	simm.s32 $0x880;
	s21 =	simm.s32 $0x700  }
0xa: {  	s22 =	simm.s32 $0x900;
	s23 =	simm.s32 $0x780;
	s11 =	smul.u32 $0x6400, s3  }
0xb: {  	s24 =	simm.s32 $0x980;
	s8 =	sand.u32 $0x1, s6;
	s12 =	smul.u32 $0xC400, s3  }
0xc: {  	s25 =	simm.s32 $0x2;
	s7 =	sshll.u32 s3, $0x1;
	s9 =	smul.u32 $0x30D40, s8  }
0xd: {  	s6 =	simm.s32 $0x0;
	s7 =	sor.u32 s8, s7;
	s29 =	smul.u32 $0x6200, s8  }
0xe: {  	[smem:$0x7FF] =	sst s6;
	s10 =	ssub.s32 $0x2, s8;
	s7 =	smul.u32 $0x31, s7  }
0xf: {  	_ =	strace $0x80000047;
	s26 =	sshrl.u32 s10, $0x1;
	s28 =	sshrl.u32 s11, $0x2  }
0x10: {  	s1 =	sadd.s32 s9, s1;
	s9 =	ssub.s32 s10, s26;
	s31 =	sadd.s32 s29, s12  }
0x11: {  	s10 =	sadd.s32 s28, s5;
	s30 =	smax.u32 s9, $0x1;
	[dreg:$0x7] =	wrdreg s31  }
0x12: {  	v0 =	vimm.f32 $0.0e+00;
	v1 =	vimm.s32 $0x0;
	vm0 =	vmxor vm0, vm0;
	s12 =	smul.u32 $0x320, s3;
	s8 =	sadd.s32 $0x400, s1;
	[dreg:$0x6] =	wrdreg s30  }
.LBB2_1:
0x13: {  	s1 =	simm.s32 $0x0  }
.LBB2_2:
0x14: {  	p0 =	sne.s32 s1, $0x63C0  }
.Ltmp0:
0x15: {  	_ = 	snop;
	(pc) =	sbr.rel @p0 .LBB2_2-.Ltmp0, $3  }
0x16: {  	_ =	sdelay $0x1  }
0x17: {  	s9 =	sshra.s32 s1, $0x2  }
0x18: {  	s1 =	sadd.s32 $0x40, s1;
	[tilespmem:s9+$0xA00] =	vst v0  }
0x19: {  	s1 =	sadd.s32 $0x0, s3  }
0x1a: {  	p0 =	sgt.u32 s1, $0xF9  }
0x1b: {  	s1 =	simm.s32 @!p0 $0xA00;
	s28 =	simm.s32 @!p0 $0x3  }
0x1c: {  	[spmem:s10] =	stream.linear.scatter @!p0 [tilespmem:s1], [sflag:$0x3], $0x1900, $0x38;
	[tilespmem:$0x1A9A0] =	vst v63  }
0x1d: {  	s9 =	simm.s32 $0x10;
	_ =	swait.ge @!p0 [sflag:s28], $0x1900  }
0x1e: {  	s26 =	simm.s32 $0x20;
	s1 =	sadd.s32 $0x19000, s10;
	[sflag:s28] =	ssyncset.done @!p0 $0x0  }
.LBB2_4:
0x1f: {  	s29 =	sadd.s32 s9, s3;
	s9 =	smov.u32 s26;
	s26 =	sadd.s32 $0x10, s26  }
0x20: {  	[sflag:s28] =	ssyncadd.s32 @!p0 $0xFFFFE700;
	p1 =	sne.s32 s26, $0x100  }
.Ltmp1:
0x21: {  	p0 =	sgt.u32 s29, $0xF9;
	(pc) =	sbr.rel @p1 .LBB2_4-.Ltmp1, $4  }
0x22: {  	s29 =	simm.s32 @!p0 $0xA00;
	s28 =	simm.s32 @!p0 $0x3  }
0x23: {  	[spmem:s1] =	stream.linear.scatter @!p0 [tilespmem:s29], [sflag:$0x3], $0x1900, $0x38;
	[tilespmem:$0x1A9A0] =	vst v63  }
0x24: {  	_ =	swait.ge @!p0 [sflag:s28], $0x1900  }
0x25: {  	s1 =	sadd.s32 $0x19000, s1;
	[sflag:s28] =	ssyncset.done @!p0 $0x0  }
0x26: {  	s9 =	sadd.s32 s9, s3  }
0x27: {  	p1 =	sgt.u32 s9, $0xF9  }
0x28: {  	[sflag:s28] =	ssyncadd.s32 @!p0 $0xFFFFE700;
	s9 =	simm.s32 @!p1 $0xA00;
	s26 =	simm.s32 @!p1 $0x3  }
0x29: {  	[spmem:s1] =	stream.linear.scatter @!p1 [tilespmem:s9], [sflag:$0x3], $0x1900, $0x38;
	[tilespmem:$0x1A9A0] =	vst v63  }
0x2a: {  	_ =	swait.ge @!p1 [sflag:s26], $0x1900  }
0x2b: {  	[sflag:s26] =	ssyncset.done @!p1 $0x0  }
0x2c: {  	[sflag:s26] =	ssyncadd.s32 @!p1 $0xFFFFE700  }
0x2d: {  	[bflag:$0x0] =	sbarrier.arrive $0xFFFF  }
0x2e: {  	s29 =	simm.s32 $0x0;
	s26 =	simm.s32 $0x0;
	s28 =	rddreg [dreg:$0x7]  }
.LBB2_6:
0x2f: {  	s1 =	sadd.s32 s7, s29  }
0x30: {  	s1 =	sshll.u32 s1, $0x6  }
0x31: {  	s9 =	sadd.s32 s0, s1  }
0x32: {  	[tilespmem:s26], [sflag:$0x1] =	stream.linear.gather [hbm4b:s9+s26], $0x200, $0x38;
	[tilespmem:$0x1A9A0] =	vst v63  }
0x33: {  	s11 =	sadd.s32 s2, s1  }
0x34: {  	[tilespmem:s13], [sflag:$0x1] =	stream.linear.gather [hbm4b:s11+s26], $0x200, $0x38;
	[tilespmem:$0x1A9A0] =	vst v63  }
0x35: {  	s1 =	sadd.s32 s4, s1  }
0x36: {  	[tilespmem:s14], [sflag:$0x1] =	stream.linear.gather [hbm4b:s1+s26], $0x200, $0x38;
	[tilespmem:$0x1A9A0] =	vst v63  }
0x37: {  	_ =	swait.ge [sflag:s15], $0x200  }
0x38: {  	[sflag:s15] =	ssyncset.done $0x0  }
0x39: {  	[sflag:s15] =	ssyncadd.s32 $0xFFFFFE00  }
0x3a: {  	_ =	swait.ge [sflag:s15], $0x200  }
0x3b: {  	[sflag:s15] =	ssyncset.done $0x0  }
0x3c: {  	[sflag:s15] =	ssyncadd.s32 $0xFFFFFE00  }
0x3d: {  	_ =	swait.ge [sflag:s15], $0x200  }
0x3e: {  	[sflag:s15] =	ssyncset.done $0x0  }
0x3f: {  	s30 =	simm.s32 $0x0;
	[sflag:s15] =	ssyncadd.s32 $0xFFFFFE00  }
0x40: {  	v3 =	vld [tilespmem:s30+$0x0]  }
0x41: {  	v4 =	vld [tilespmem:s30+$0x200]  }
0x42: {  	p0 =	slt.u32 s28, $0xC3500;
	vm1 =	vmmov vm0  }
0x43: {  	vm1 =	vmneg @p0 vm1;
	s11 =	sadd.s32 $0x10, s28;
	v5 =	vld [tilespmem:s30+$0x400]  }
0x44: {  	v2 =	vsel vm1, $0x3F800000, v1;
	vm1 =	vmmov vm0;
	p0 =	slt.u32 s11, $0xC3500  }
0x45: {  	vm1 =	vmneg @p0 vm1  }
0x46: {  	s31 =	simm.s32 $0x10;
	v6 =	vsel vm1, $0x3F800000, v1;
	[tilespmem:s30+$0x800] =	vst v2;
	vm1 =	vlt.s32 v3, $0x4E20;
	vm2 =	vgt.s32 v4, $0x4E1F  }
0x47: {  	v2 =	vld [tilespmem:s31+$0x0];
	[tilespmem:s31+$0x800] =	vst v6;
	v6 =	vshll.u32 v3, $0x5;
	vm1 =	vmxor vm1, vm2  }
0x48: {  	s9 =	sadd.s32 $0x10, s11;
	s1 =	simm.s32 $0x80;
	v3 =	vld [tilespmem:s31+$0x200];
	v5 =	vadd.s32 v6, v5;
	v4 =	vsel vm1, $0x10, v1  }
.LBB2_7:
0x49: {  	p0 =	slt.u32 s9, $0xC3500;
	vm1 =	vmmov vm0  }
0x4a: {  	v6 =	vld [tilespmem:s31+$0x400];
	v4 =	vadd.s32 v4, v5;
	vm1 =	vmneg @p0 vm1;
	p0 =	sne.s32 s1, $0x7C0  }
.Ltmp2:
0x4b: {  	[tilespmem:s30+$0x600] =	vst v4;
	s30 =	smov.u32 s31;
	(pc) =	sbr.rel @p0 .LBB2_7-.Ltmp2, $4  }
0x4c: {  	s31 =	sshra.s32 s1, $0x2;
	v4 =	vsel vm1, $0x3F800000, v1;
	v5 =	vmov v2  }
0x4d: {  	s1 =	sadd.s32 $0x40, s1;
	v2 =	vld [tilespmem:s31+$0x0];
	[tilespmem:s31+$0x800] =	vst v4;
	vm1 =	vlt.s32 v5, $0x4E20;
	vm2 =	vgt.s32 v3, $0x4E1F  }
0x4e: {  	v5 =	vshll.u32 v5, $0x5;
	v3 =	vld [tilespmem:s31+$0x200];
	vm1 =	vmxor vm1, vm2  }
0x4f: {  	s9 =	sadd.s32 $0x10, s9;
	v4 =	vsel vm1, $0x10, v1;
	v5 =	vadd.s32 v5, v6  }
0x50: {  	v6 =	vld [tilespmem:s31+$0x400];
	_ =	sdelay $0x2  }
0x51: {  	vm1 =	vlt.s32 v2, $0x4E20;
	vm2 =	vgt.s32 v3, $0x4E1F  }
0x52: {  	v2 =	vshll.u32 v2, $0x5;
	vm1 =	vmxor vm1, vm2  }
0x53: {  	v3 =	vadd.s32 v4, v5;
	v63 =	vsel vm1, $0x10, v1;
	v2 =	vadd.s32 v2, v6  }
0x54: {  	[tilespmem:s30+$0x600] =	vst v3;
	v2 =	vadd.s32 v63, v2  }
0x55: {  	[tilespmem:s31+$0x600] =	vst v2  }
0x56: {  	[spmem:s5] =	stream.indirect.scatter.add.f32 [tilespmem:s18], [sflag:$0x2], $0x1, s17, s16, $0xb8;
	[tilespmem:$0x1A9A0] =	vst v63  }
0x57: {  	_ = 	snop  }
0x58: {  	[spmem:s5] =	stream.indirect.scatter.add.f32 [tilespmem:s20], [sflag:$0x2], $0x1, s19, s16, $0xb8;
	[tilespmem:$0x1A9A0] =	vst v63  }
0x59: {  	_ = 	snop  }
0x5a: {  	[spmem:s5] =	stream.indirect.scatter.add.f32 [tilespmem:s22], [sflag:$0x2], $0x1, s21, s16, $0xb8;
	[tilespmem:$0x1A9A0] =	vst v63  }
0x5b: {  	_ = 	snop  }
0x5c: {  	[spmem:s5] =	stream.indirect.scatter.add.f32 [tilespmem:s24], [sflag:$0x2], $0x1, s23, s16, $0xb8;
	[tilespmem:$0x1A9A0] =	vst v63  }
0x5d: {  	_ =	swait.ge [sflag:s25], $0x80  }
0x5e: {  	[sflag:s25] =	ssyncset.done $0x0  }
0x5f: {  	[sflag:s25] =	ssyncadd.s32 $0xFFFFFF80  }
0x60: {  	_ =	swait.ge [sflag:s25], $0x80  }
0x61: {  	[sflag:s25] =	ssyncset.done $0x0  }
0x62: {  	s29 =	sadd.s32 $0x1, s29;
	[sflag:s25] =	ssyncadd.s32 $0xFFFFFF80  }
0x63: {  	p0 =	sne.s32 s29, $0x31;
	_ =	swait.ge [sflag:s25], $0x80  }
.Ltmp3:
0x64: {  	[sflag:s25] =	ssyncset.done $0x0;
	(pc) =	sbr.rel @p0 .LBB2_6-.Ltmp3, $4  }
0x65: {  	[sflag:s25] =	ssyncadd.s32 $0xFFFFFF80  }
0x66: {  	_ =	swait.ge [sflag:s25], $0x80  }
0x67: {  	[sflag:s25] =	ssyncset.done $0x0  }
0x68: {  	s28 =	sadd.s32 $0x200, s28;
	[sflag:s25] =	ssyncadd.s32 $0xFFFFFF80  }
0x69: {  	s1 =	sadd.s32 $0x0, s3  }
0x6a: {  	[bflag:$0x0] =	sbarrier.arrive $0xFFFF;
	p0 =	sgt.u32 s1, $0xF9  }
0x6b: {  	s9 =	simm.s32 @!p0 $0xA00;
	s26 =	simm.s32 @!p0 $0x4;
	p0 =	por p0, p0  }
0x6c: {  	[tilespmem:s9], [sflag:$0x4] =	stream.linear.gather @!p0 [spmem:s10], $0x1900, $0x38;
	[tilespmem:$0x1A9A0] =	vst v63  }
0x6d: {  	_ =	swait.ge @!p0 [sflag:s26], $0x1900  }
0x6e: {  	s31 =	sadd.s32 $0x10, s3;
	s1 =	simm.s32 @!p0 $0x3;
	[sflag:s26] =	ssyncset.done @!p0 $0x0  }
0x6f: {  	s29 =	simm.s32 @!p0 $0x0;
	[sflag:s26] =	ssyncadd.s32 @!p0 $0xFFFFE700;
	s26 =	sadd.s32 @!p0 s12, s8  }
0x70: {  	[hbm4b:s26+s29] =	stream.linear.scatter @!p0 [tilespmem:s9], [sflag:$0x3], $0x1900, $0x38;
	[tilespmem:$0x1A9A0] =	vst v63  }
0x71: {  	s28 =	simm.s32 $0x20;
	p1 =	sgt.u32 s31, $0xF9;
	_ =	swait.ge @!p0 [sflag:s1], $0x1900  }
0x72: {  	s26 =	sadd.s32 $0x3200, s12;
	s29 =	sadd.s32 $0x19000, s10;
	[sflag:s1] =	ssyncset.done @!p0 $0x0  }
.LBB2_10:
0x73: {  	s9 =	simm.s32 @!p1 $0xA00  }
0x74: {  	s30 =	simm.s32 @!p1 $0x4;
	[sflag:s1] =	ssyncadd.s32 @!p0 $0xFFFFE700;
	s31 =	smov.u32 s28  }
0x75: {  	s11 =	smov.u32 s26;
	p0 =	por p1, p1;
	s28 =	sadd.s32 $0x10, s28  }
0x76: {  	[tilespmem:s9], [sflag:$0x4] =	stream.linear.gather @!p0 [spmem:s29], $0x1900, $0x38;
	[tilespmem:$0x1A9A0] =	vst v63  }
0x77: {  	s26 =	sadd.s32 $0x3200, s26;
	p2 =	sne.s32 s28, $0x100;
	_ =	swait.ge @!p0 [sflag:s30], $0x1900  }
.Ltmp4:
0x78: {  	s1 =	simm.s32 @!p0 $0x3;
	[sflag:s30] =	ssyncset.done @!p0 $0x0;
	(pc) =	sbr.rel @p2 .LBB2_10-.Ltmp4, $4  }
0x79: {  	s11 =	sadd.s32 @!p0 s11, s8;
	[sflag:s30] =	ssyncadd.s32 @!p0 $0xFFFFE700;
	s30 =	simm.s32 @!p0 $0x0  }
0x7a: {  	[hbm4b:s11+s30] =	stream.linear.scatter @!p0 [tilespmem:s9], [sflag:$0x3], $0x1900, $0x38;
	[tilespmem:$0x1A9A0] =	vst v63  }
0x7b: {  	s9 =	sadd.s32 s31, s3;
	_ =	swait.ge @!p0 [sflag:s1], $0x1900  }
0x7c: {  	s29 =	sadd.s32 $0x19000, s29;
	p1 =	sgt.u32 s9, $0xF9;
	[sflag:s1] =	ssyncset.done @!p0 $0x0  }
0x7d: {  	s9 =	simm.s32 @!p1 $0xA00  }
0x7e: {  	s11 =	simm.s32 @!p1 $0x4;
	[sflag:s1] =	ssyncadd.s32 @!p0 $0xFFFFE700;
	p0 =	por p1, p1  }
0x7f: {  	[tilespmem:s9], [sflag:$0x4] =	stream.linear.gather @!p0 [spmem:s29], $0x1900, $0x38;
	[tilespmem:$0x1A9A0] =	vst v63  }
0x80: {  	_ =	swait.ge @!p0 [sflag:s11], $0x1900  }
0x81: {  	s1 =	simm.s32 @!p0 $0x3;
	[sflag:s11] =	ssyncset.done @!p0 $0x0  }
0x82: {  	[sflag:s11] =	ssyncadd.s32 @!p0 $0xFFFFE700;
	s11 =	sadd.s32 @!p0 s26, s8;
	s26 =	simm.s32 @!p0 $0x0  }
0x83: {  	[hbm4b:s11+s26] =	stream.linear.scatter @!p0 [tilespmem:s9], [sflag:$0x3], $0x1900, $0x38;
	[tilespmem:$0x1A9A0] =	vst v63  }
0x84: {  	_ =	swait.ge @!p0 [sflag:s1], $0x1900  }
0x85: {  	s6 =	sadd.s32 $0x1, s6;
	s31 =	rddreg [dreg:$0x6]  }
0x86: {  	p1 =	sne.s32 s6, s31  }
.Ltmp5:
0x87: {  	_ = 	snop;
	(pc) =	sbr.rel @p1 .LBB2_1-.Ltmp5, $3  }
0x88: {  	_ =	sdelay $0x1  }
0x89: {  	[sflag:s1] =	ssyncset.done @!p0 $0x0  }
0x8a: {  	[sflag:s1] =	ssyncadd.s32 @!p0 $0xFFFFE700  }
0x8b: {  	_ =	sfence.sel $0x180000  }
0x8c: {  	[bflag:$0x0] =	sbarrier.arrive $0xFFFF  }
0x8d: {  	_ =	strace $0x90000047  }
0x8e: {  	[bflag:$0x2] =	sbarrier.arrive $0xFFFF  }
0x8f: {  	p0 =	sne.s32 s3, $0x0;
	s0 =	rddreg [dreg:$0x5]  }
0x90: {  	s0 =	sadd.s32 @!p0 $0x100000, s0  }
0x91: {  	[sflag:s0] =	ssyncadd.tile.s32 @!p0 $0x1;
	_ =	shalt  }
.Lfunc_end2:
_tile_overlayer_lowered:
.L_overlay_start_2:
0x92: {  	(tag) =	ssettag $0x2  }
0x93: {  	s0 =	rddreg [dreg:$0x0];
	s2 =	stileid.u32  }
0x94: {  	s1 =	rddreg [dreg:$0x1];
	p0 =	sne.s32 s2, $0x0  }
0x95: {  	s3 =	rddreg [dreg:$0x2];
	[bflag:$0x3] =	sbarrier.arrive $0xFFFF;
	s2 =	simm.s32 @!p0 $0x1C03  }
0x96: {  	[timem:s3], [sflag:s2] =	dma.local @!p0 [hbm:s0], s1  }
0x97: {  	s0 =	simm.s32 @!p0 $0x3  }
0x98: {  	_ =	swait.ge @!p0 [sflag:s0], s1  }
0x99: {  	s1 =	ssub.s32 @!p0 $0x0, s1;
	[sflag:s0] =	ssyncset.done @!p0 $0x0  }
0x9a: {  	[sflag:s0] =	ssyncadd.s32 @!p0 s1  }
0x9b: {  	[bflag:$0x3] =	sbarrier.arrive $0xFFFF  }
0x9c: {  	_ =	shalt  }

</sc_bundles>
